<compile_context>
chip_gen: v7x
topology: tpu7x:2x2x1
jax: 0.10.2.dev20260603
libtpu: 0.0.44.dev20260713+nightly
codegen_flags: <defaults>
</compile_context>

<pallas_src>
import functools

import jax
import jax.numpy as jnp
from jax import lax
from jax.experimental import pallas as pl
from jax.experimental.pallas import tpu as pltpu
from jax.experimental.pallas import tpu_sc as plsc


def kernel(x, W, pos_enc):
    B, S = x.shape
    V, D = W.shape
    L = 16
    total = B * S

    info = plsc.get_sparse_core_info()
    NW = info.num_cores * info.num_subcores
    rows_per_w = total // NW
    C = S
    SPLIT = 104
    NB = 4
    n_chunks = rows_per_w // C
    assert total % NW == 0 and rows_per_w % C == 0 and n_chunks % NB == 0
    assert SPLIT % 8 == 0 and SPLIT <= 128 and C - SPLIT <= 128

    x_flat = x.reshape(-1).astype(jnp.int32)
    pos = pos_enc[0, :S, :]

    mesh = plsc.VectorSubcoreMesh(core_axis_name="c", subcore_axis_name="s")

    @functools.partial(
        pl.kernel,
        out_type=jax.ShapeDtypeStruct((total, D), jnp.float32),
        mesh=mesh,
        scratch_types=[pltpu.VMEM((C,), jnp.int32)] * NB
        + [
            pltpu.VMEM((NB, C, D), jnp.float32),
            pltpu.VMEM((C, D), jnp.float32),
        ]
        + [pltpu.SemaphoreType.DMA] * (3 * NB),
    )
    def emb(x_hbm, w_hbm, pos_hbm, out_hbm, *refs):
        idx_v = refs[:NB]
        rows_v, pos_v = refs[NB], refs[NB + 1]
        sems = refs[NB + 2 :]
        isem = sems[:NB]
        gsem = sems[NB : 2 * NB]
        osem = sems[2 * NB :]
        wid = lax.axis_index("s") * info.num_cores + lax.axis_index("c")
        base = wid * rows_per_w
        pltpu.sync_copy(pos_hbm, pos_v)

        def idx_desc(g, b):
            return pltpu.make_async_copy(
                x_hbm.at[pl.ds(base + g * C, C)], idx_v[b], isem[b]
            )

        def gather_descs(b):
            descs = []
            for lo, n in ((0, SPLIT), (SPLIT, C - SPLIT)):
                descs.append(
                    pltpu.make_async_copy(
                        w_hbm.at[idx_v[b].at[pl.ds(lo, n)]],
                        rows_v.at[b, pl.ds(lo, n)],
                        gsem[b],
                    )
                )
            return descs

        def out_desc(g, b):
            return pltpu.make_async_copy(
                rows_v.at[b], out_hbm.at[pl.ds(base + g * C, C)], osem[b]
            )

        IA = 2

        for k in range(IA + 1):
            idx_desc(k, k).start()
        for k in range(IA):
            idx_desc(k, k).wait()
            for d in gather_descs(k):
                d.start()

        def outer(i, carry):
            g0 = i * NB
            for b in range(NB):
                g = g0 + b
                f = g + IA
                bf = (b + IA) % NB

                @pl.when(f < n_chunks)
                def _():
                    @pl.when(g >= NB - IA)
                    def _():
                        out_desc(f - NB, bf).wait()

                    idx_desc(f, bf).wait()
                    for d in gather_descs(bf):
                        d.start()

                @pl.when(f + 1 < n_chunks)
                def _():
                    idx_desc(f + 1, (bf + 1) % NB).start()

                for d in gather_descs(b):
                    d.wait()

                @plsc.parallel_loop(0, C, unroll=4)
                def _(r):
                    for j in range(D // L):
                        sl = pl.ds(j * L, L)
                        rows_v[b, r, sl] = rows_v[b, r, sl] + pos_v[r, sl]

                out_desc(g, b).start()
            return carry

        lax.fori_loop(0, n_chunks // NB, outer, 0)

        for j in range(NB):
            g = n_chunks - NB + j
            out_desc(g, g % NB).wait()

    out = emb(x_flat, W, pos)
    return out.reshape(B, S, D)

# --- scband reference (transcript-rebuilt; emitter-appended) ---
"""Pipeline reference for scband-transformer-embedding-68375879352993 (READ-ONLY COPY).

The authoritative reference and input builder live on the scoring server;
editing this copy changes nothing except your own understanding.
"""

import jax, jax.numpy as jnp
import numpy as np
import math

VOCAB_SIZE = 100000
EMBED_SIZE = 128
MAX_LEN = 512
BATCH = 4096
SEQ_LEN = 200


def _create_position_encoding(max_len, embed_size):
    pe = np.zeros((max_len, embed_size), dtype=np.float32)
    for pos in range(max_len):
        for i in range(0, embed_size, 2):
            pe[pos, i] = math.sin(pos / 10000 ** (2 * i / embed_size))
            if i + 1 < embed_size:
                pe[pos, i + 1] = math.cos(pos / 10000 ** (2 * i / embed_size))
    return jnp.asarray(pe)[None, :, :]  # [1, max_len, embed_size]


def setup_inputs(seed: int = 0) -> dict:
    key = jax.random.key(seed)
    k_idx, k_w = jax.random.split(key)
    x = jax.random.randint(k_idx, (BATCH, SEQ_LEN), 0, VOCAB_SIZE, dtype=jnp.int64 if jax.config.jax_enable_x64 else jnp.int32)
    W = jax.random.normal(k_w, (VOCAB_SIZE, EMBED_SIZE), dtype=jnp.float32)
    pos_enc = _create_position_encoding(MAX_LEN, EMBED_SIZE)
    return {"x": x, "W": W, "pos_enc": pos_enc}


def reference(x, W, pos_enc):
    seq_len = x.shape[1]
    word_embeddings = jnp.take(W, x, axis=0)  # [B, S, D] embedding gather
    position_embeddings = pos_enc[:, :seq_len, :]
    embeddings = word_embeddings + position_embeddings
    return embeddings

if __name__ == "__main__":
    import jax
    _d = setup_inputs()
    print(jax.jit(kernel)(*tuple(_d.values())))

</pallas_src>

<mosaic_0001>
#map = affine_map<(d0, d1) -> (0)>
#map1 = affine_map<(d0, d1) -> (0, 0)>
module attributes {stable_mosaic.version = 14 : i64} {
  func.func @emb(%arg0: i32, %arg1: i32, %arg2: memref<819200xi32, #tpu.memory_space<hbm>>, %arg3: memref<100000x128xf32, #tpu.memory_space<hbm>>, %arg4: memref<200x128xf32, #tpu.memory_space<hbm>>, %arg5: memref<819200x128xf32, #tpu.memory_space<hbm>>, %arg6: memref<200xi32, #tpu.memory_space<vmem>>, %arg7: memref<200xi32, #tpu.memory_space<vmem>>, %arg8: memref<200xi32, #tpu.memory_space<vmem>>, %arg9: memref<200xi32, #tpu.memory_space<vmem>>, %arg10: memref<4x200x128xf32, #tpu.memory_space<vmem>>, %arg11: memref<200x128xf32, #tpu.memory_space<vmem>>, %arg12: memref<!tpu.dma_semaphore, #tpu.memory_space<semaphore_mem>>, %arg13: memref<!tpu.dma_semaphore, #tpu.memory_space<semaphore_mem>>, %arg14: memref<!tpu.dma_semaphore, #tpu.memory_space<semaphore_mem>>, %arg15: memref<!tpu.dma_semaphore, #tpu.memory_space<semaphore_mem>>, %arg16: memref<!tpu.dma_semaphore, #tpu.memory_space<semaphore_mem>>, %arg17: memref<!tpu.dma_semaphore, #tpu.memory_space<semaphore_mem>>, %arg18: memref<!tpu.dma_semaphore, #tpu.memory_space<semaphore_mem>>, %arg19: memref<!tpu.dma_semaphore, #tpu.memory_space<semaphore_mem>>, %arg20: memref<!tpu.dma_semaphore, #tpu.memory_space<semaphore_mem>>, %arg21: memref<!tpu.dma_semaphore, #tpu.memory_space<semaphore_mem>>, %arg22: memref<!tpu.dma_semaphore, #tpu.memory_space<semaphore_mem>>, %arg23: memref<!tpu.dma_semaphore, #tpu.memory_space<semaphore_mem>>) attributes {dimension_semantics = [#tpu.dimension_semantics<core_parallel>, #tpu.dimension_semantics<subcore_parallel>], iteration_bounds = array<i64: 2, 16>, scalar_prefetch = 0 : i64, scratch_operands = 18 : i64, tpu.core_type = #tpu.core_type<sc_vector_subcore>, window_params = [{transform_indices = #map}, {transform_indices = #map1}, {transform_indices = #map1}, {transform_indices = #map1}]} {
    %mul3A = arith.constant 2 : i32
    %mul3A_0 = arith.muli %arg1, %mul3A : i32
    %add3A = arith.addi %mul3A_0, %arg0 : i32
    %mul3A_1 = arith.constant 25600 : i32
    %mul3A_2 = arith.muli %add3A, %mul3A_1 : i32
    "tpu.region"() ({
      %run_scoped3A = tpu.sem_alloc : memref<!tpu.dma_semaphore, #tpu.memory_space<semaphore_mem>>
      tpu.enqueue_dma source(%arg4 : memref<200x128xf32, #tpu.memory_space<hbm>>) target(%arg11 : memref<200x128xf32, #tpu.memory_space<vmem>>) target_semaphore(%run_scoped3A : memref<!tpu.dma_semaphore, #tpu.memory_space<semaphore_mem>>)
      tpu.wait_dma2 semaphore(%run_scoped3A : memref<!tpu.dma_semaphore, #tpu.memory_space<semaphore_mem>>) src(%arg4 : memref<200x128xf32, #tpu.memory_space<hbm>>) dst(%arg11 : memref<200x128xf32, #tpu.memory_space<vmem>>)
      tpu.yield
    }) : () -> ()
    %add3A_3 = arith.constant 0 : i32
    %add3A_4 = arith.addi %mul3A_2, %add3A_3 : i32
    %dma_start3A = tpu.memref_slice %arg2[%add3A_4] : memref<819200xi32, #tpu.memory_space<hbm>> -> memref<200xi32, #tpu.memory_space<hbm>>
    %dma_start3A_5 = tpu.memref_slice %arg2[%add3A_4] : memref<819200xi32, #tpu.memory_space<hbm>> -> memref<200xi32, #tpu.memory_space<hbm>>
    tpu.enqueue_dma source(%dma_start3A_5 : memref<200xi32, #tpu.memory_space<hbm>>) target(%arg6 : memref<200xi32, #tpu.memory_space<vmem>>) target_semaphore(%arg12 : memref<!tpu.dma_semaphore, #tpu.memory_space<semaphore_mem>>)
    %add3A_6 = arith.constant 200 : i32
    %add3A_7 = arith.addi %mul3A_2, %add3A_6 : i32
    %dma_start3A_8 = tpu.memref_slice %arg2[%add3A_7] : memref<819200xi32, #tpu.memory_space<hbm>> -> memref<200xi32, #tpu.memory_space<hbm>>
    %dma_start3A_9 = tpu.memref_slice %arg2[%add3A_7] : memref<819200xi32, #tpu.memory_space<hbm>> -> memref<200xi32, #tpu.memory_space<hbm>>
    tpu.enqueue_dma source(%dma_start3A_9 : memref<200xi32, #tpu.memory_space<hbm>>) target(%arg7 : memref<200xi32, #tpu.memory_space<vmem>>) target_semaphore(%arg13 : memref<!tpu.dma_semaphore, #tpu.memory_space<semaphore_mem>>)
    %add3A_10 = arith.constant 400 : i32
    %add3A_11 = arith.addi %mul3A_2, %add3A_10 : i32
    %dma_start3A_12 = tpu.memref_slice %arg2[%add3A_11] : memref<819200xi32, #tpu.memory_space<hbm>> -> memref<200xi32, #tpu.memory_space<hbm>>
    %dma_start3A_13 = tpu.memref_slice %arg2[%add3A_11] : memref<819200xi32, #tpu.memory_space<hbm>> -> memref<200xi32, #tpu.memory_space<hbm>>
    tpu.enqueue_dma source(%dma_start3A_13 : memref<200xi32, #tpu.memory_space<hbm>>) target(%arg8 : memref<200xi32, #tpu.memory_space<vmem>>) target_semaphore(%arg14 : memref<!tpu.dma_semaphore, #tpu.memory_space<semaphore_mem>>)
    %add3A_14 = arith.constant 0 : i32
    %add3A_15 = arith.addi %mul3A_2, %add3A_14 : i32
    %dma_wait3A = tpu.memref_slice %arg2[%add3A_15] : memref<819200xi32, #tpu.memory_space<hbm>> -> memref<200xi32, #tpu.memory_space<hbm>>
    %dma_wait3A_16 = tpu.memref_slice %arg2[%add3A_15] : memref<819200xi32, #tpu.memory_space<hbm>> -> memref<200xi32, #tpu.memory_space<hbm>>
    tpu.wait_dma2 semaphore(%arg12 : memref<!tpu.dma_semaphore, #tpu.memory_space<semaphore_mem>>) src(%dma_wait3A_16 : memref<200xi32, #tpu.memory_space<hbm>>) dst(%arg6 : memref<200xi32, #tpu.memory_space<vmem>>)
    %dma_start3A_17 = arith.constant 0 : i32
    %dma_start3A_18 = arith.constant 0 : i32
    %dma_start3A_19 = arith.constant 0 : i32
    %dma_start3A_20 = tpu.memref_slice %arg10[%dma_start3A_17, %dma_start3A_18, %dma_start3A_19] : memref<4x200x128xf32, #tpu.memory_space<vmem>> -> memref<1x104x128xf32, #tpu.memory_space<vmem>>
    %dma_start3A_21 = tpu.memref_squeeze %dma_start3A_20 : memref<1x104x128xf32, #tpu.memory_space<vmem>> -> memref<104x128xf32, #tpu.memory_space<vmem>>
    %dma_start3A_22 = arith.constant 0 : i32
    %dma_start3A_23 = tpu.memref_slice %arg6[%dma_start3A_22] : memref<200xi32, #tpu.memory_space<vmem>> -> memref<104xi32, #tpu.memory_space<vmem>>
    %dma_start3A_24 = arith.constant 0 : i32
    %dma_start3A_25 = arith.constant 0 : i32
    %dma_start3A_26 = tpu.memref_slice %arg3[%dma_start3A_24, %dma_start3A_25] : memref<100000x128xf32, #tpu.memory_space<hbm>> -> memref<100000x128xf32, #tpu.memory_space<hbm>>
    tpu.enqueue_indirect_dma source(%dma_start3A_26 : memref<100000x128xf32, #tpu.memory_space<hbm>>) target(%dma_start3A_21 : memref<104x128xf32, #tpu.memory_space<vmem>>) offsets(%dma_start3A_23 : memref<104xi32, #tpu.memory_space<vmem>>) semaphore(%arg16 : memref<!tpu.dma_semaphore, #tpu.memory_space<semaphore_mem>>)
    %dma_start3A_27 = arith.constant 0 : i32
    %dma_start3A_28 = arith.constant 104 : i32
    %dma_start3A_29 = arith.constant 0 : i32
    %dma_start3A_30 = tpu.memref_slice %arg10[%dma_start3A_27, %dma_start3A_28, %dma_start3A_29] : memref<4x200x128xf32, #tpu.memory_space<vmem>> -> memref<1x96x128xf32, #tpu.memory_space<vmem>>
    %dma_start3A_31 = tpu.memref_squeeze %dma_start3A_30 : memref<1x96x128xf32, #tpu.memory_space<vmem>> -> memref<96x128xf32, #tpu.memory_space<vmem>>
    %dma_start3A_32 = arith.constant 104 : i32
    %dma_start3A_33 = tpu.memref_slice %arg6[%dma_start3A_32] : memref<200xi32, #tpu.memory_space<vmem>> -> memref<96xi32, #tpu.memory_space<vmem>>
    %dma_start3A_34 = arith.constant 0 : i32
    %dma_start3A_35 = arith.constant 0 : i32
    %dma_start3A_36 = tpu.memref_slice %arg3[%dma_start3A_34, %dma_start3A_35] : memref<100000x128xf32, #tpu.memory_space<hbm>> -> memref<100000x128xf32, #tpu.memory_space<hbm>>
    tpu.enqueue_indirect_dma source(%dma_start3A_36 : memref<100000x128xf32, #tpu.memory_space<hbm>>) target(%dma_start3A_31 : memref<96x128xf32, #tpu.memory_space<vmem>>) offsets(%dma_start3A_33 : memref<96xi32, #tpu.memory_space<vmem>>) semaphore(%arg16 : memref<!tpu.dma_semaphore, #tpu.memory_space<semaphore_mem>>)
    %add3A_37 = arith.constant 200 : i32
    %add3A_38 = arith.addi %mul3A_2, %add3A_37 : i32
    %dma_wait3A_39 = tpu.memref_slice %arg2[%add3A_38] : memref<819200xi32, #tpu.memory_space<hbm>> -> memref<200xi32, #tpu.memory_space<hbm>>
    %dma_wait3A_40 = tpu.memref_slice %arg2[%add3A_38] : memref<819200xi32, #tpu.memory_space<hbm>> -> memref<200xi32, #tpu.memory_space<hbm>>
    tpu.wait_dma2 semaphore(%arg13 : memref<!tpu.dma_semaphore, #tpu.memory_space<semaphore_mem>>) src(%dma_wait3A_40 : memref<200xi32, #tpu.memory_space<hbm>>) dst(%arg7 : memref<200xi32, #tpu.memory_space<vmem>>)
    %dma_start3A_41 = arith.constant 1 : i32
    %dma_start3A_42 = arith.constant 0 : i32
    %dma_start3A_43 = arith.constant 0 : i32
    %dma_start3A_44 = tpu.memref_slice %arg10[%dma_start3A_41, %dma_start3A_42, %dma_start3A_43] : memref<4x200x128xf32, #tpu.memory_space<vmem>> -> memref<1x104x128xf32, #tpu.memory_space<vmem>>
    %dma_start3A_45 = tpu.memref_squeeze %dma_start3A_44 : memref<1x104x128xf32, #tpu.memory_space<vmem>> -> memref<104x128xf32, #tpu.memory_space<vmem>>
    %dma_start3A_46 = arith.constant 0 : i32
    %dma_start3A_47 = tpu.memref_slice %arg7[%dma_start3A_46] : memref<200xi32, #tpu.memory_space<vmem>> -> memref<104xi32, #tpu.memory_space<vmem>>
    %dma_start3A_48 = arith.constant 0 : i32
    %dma_start3A_49 = arith.constant 0 : i32
    %dma_start3A_50 = tpu.memref_slice %arg3[%dma_start3A_48, %dma_start3A_49] : memref<100000x128xf32, #tpu.memory_space<hbm>> -> memref<100000x128xf32, #tpu.memory_space<hbm>>
    tpu.enqueue_indirect_dma source(%dma_start3A_50 : memref<100000x128xf32, #tpu.memory_space<hbm>>) target(%dma_start3A_45 : memref<104x128xf32, #tpu.memory_space<vmem>>) offsets(%dma_start3A_47 : memref<104xi32, #tpu.memory_space<vmem>>) semaphore(%arg17 : memref<!tpu.dma_semaphore, #tpu.memory_space<semaphore_mem>>)
    %dma_start3A_51 = arith.constant 1 : i32
    %dma_start3A_52 = arith.constant 104 : i32
    %dma_start3A_53 = arith.constant 0 : i32
    %dma_start3A_54 = tpu.memref_slice %arg10[%dma_start3A_51, %dma_start3A_52, %dma_start3A_53] : memref<4x200x128xf32, #tpu.memory_space<vmem>> -> memref<1x96x128xf32, #tpu.memory_space<vmem>>
    %dma_start3A_55 = tpu.memref_squeeze %dma_start3A_54 : memref<1x96x128xf32, #tpu.memory_space<vmem>> -> memref<96x128xf32, #tpu.memory_space<vmem>>
    %dma_start3A_56 = arith.constant 104 : i32
    %dma_start3A_57 = tpu.memref_slice %arg7[%dma_start3A_56] : memref<200xi32, #tpu.memory_space<vmem>> -> memref<96xi32, #tpu.memory_space<vmem>>
    %dma_start3A_58 = arith.constant 0 : i32
    %dma_start3A_59 = arith.constant 0 : i32
    %dma_start3A_60 = tpu.memref_slice %arg3[%dma_start3A_58, %dma_start3A_59] : memref<100000x128xf32, #tpu.memory_space<hbm>> -> memref<100000x128xf32, #tpu.memory_space<hbm>>
    tpu.enqueue_indirect_dma source(%dma_start3A_60 : memref<100000x128xf32, #tpu.memory_space<hbm>>) target(%dma_start3A_55 : memref<96x128xf32, #tpu.memory_space<vmem>>) offsets(%dma_start3A_57 : memref<96xi32, #tpu.memory_space<vmem>>) semaphore(%arg17 : memref<!tpu.dma_semaphore, #tpu.memory_space<semaphore_mem>>)
    %scan3A = arith.constant 0 : i32
    %scan3A_61 = arith.constant 0 : i32
    %scan3A_62 = arith.constant 32 : i32
    %scan3A_63 = arith.addi %scan3A_61, %scan3A_62 : i32
    %scan3A_64 = arith.constant 1 : i32
    scf.for %scan3A_126 = %scan3A_61 to %scan3A_63 step %scan3A_64  : i32 {
      %mul3A_127 = arith.constant 4 : i32
      %mul3A_128 = arith.muli %scan3A_126, %mul3A_127 : i32
      %add3A_129 = arith.constant 0 : i32
      %add3A_130 = arith.addi %mul3A_128, %add3A_129 : i32
      %add3A_131 = arith.constant 2 : i32
      %add3A_132 = arith.addi %add3A_130, %add3A_131 : i32
      %lt3A = arith.constant 128 : i32
      %lt3A_133 = arith.cmpi slt, %add3A_132, %lt3A : i32
      %convert_element_type3A = arith.extui %lt3A_133 : i1 to i32
      %cond3A = arith.constant 0 : i32
      %cond3A_134 = arith.cmpi ne, %convert_element_type3A, %cond3A : i32
      scf.if %cond3A_134 {
        %ge3A = arith.constant 2 : i32
        %ge3A_345 = arith.cmpi sge, %add3A_130, %ge3A : i32
        %convert_element_type3A_346 = arith.extui %ge3A_345 : i1 to i32
        %cond3A_347 = arith.constant 0 : i32
        %cond3A_348 = arith.cmpi ne, %convert_element_type3A_346, %cond3A_347 : i32
        scf.if %cond3A_348 {
          %sub3A = arith.constant 4 : i32
          %sub3A_374 = arith.subi %add3A_132, %sub3A : i32
          %mul3A_375 = arith.constant 200 : i32
          %mul3A_376 = arith.muli %sub3A_374, %mul3A_375 : i32
          %add3A_377 = arith.addi %mul3A_2, %mul3A_376 : i32
          %dma_wait3A_378 = arith.constant 2 : i32
          %dma_wait3A_379 = arith.constant 0 : i32
          %dma_wait3A_380 = arith.constant 0 : i32
          %dma_wait3A_381 = tpu.memref_slice %arg10[%dma_wait3A_378, %dma_wait3A_379, %dma_wait3A_380] : memref<4x200x128xf32, #tpu.memory_space<vmem>> -> memref<1x200x128xf32, #tpu.memory_space<vmem>>
          %dma_wait3A_382 = tpu.memref_squeeze %dma_wait3A_381 : memref<1x200x128xf32, #tpu.memory_space<vmem>> -> memref<200x128xf32, #tpu.memory_space<vmem>>
          %dma_wait3A_383 = arith.constant 0 : i32
          %dma_wait3A_384 = tpu.memref_slice %arg5[%add3A_377, %dma_wait3A_383] : memref<819200x128xf32, #tpu.memory_space<hbm>> -> memref<200x128xf32, #tpu.memory_space<hbm>>
          %dma_wait3A_385 = arith.constant 0 : i32
          %dma_wait3A_386 = tpu.memref_slice %arg5[%add3A_377, %dma_wait3A_385] : memref<819200x128xf32, #tpu.memory_space<hbm>> -> memref<200x128xf32, #tpu.memory_space<hbm>>
          %dma_wait3A_387 = arith.constant 0 : i32
          %dma_wait3A_388 = arith.constant 0 : i32
          %dma_wait3A_389 = tpu.memref_slice %arg10[%dma_wait3A_378, %dma_wait3A_387, %dma_wait3A_388] : memref<4x200x128xf32, #tpu.memory_space<vmem>> -> memref<1x200x128xf32, #tpu.memory_space<vmem>>
          %dma_wait3A_390 = tpu.memref_squeeze %dma_wait3A_389 : memref<1x200x128xf32, #tpu.memory_space<vmem>> -> memref<200x128xf32, #tpu.memory_space<vmem>>
          tpu.wait_dma2 semaphore(%arg22 : memref<!tpu.dma_semaphore, #tpu.memory_space<semaphore_mem>>) src(%dma_wait3A_390 : memref<200x128xf32, #tpu.memory_space<vmem>>) dst(%dma_wait3A_386 : memref<200x128xf32, #tpu.memory_space<hbm>>)
        } else {
        }
        %mul3A_349 = arith.constant 200 : i32
        %mul3A_350 = arith.muli %add3A_132, %mul3A_349 : i32
        %add3A_351 = arith.addi %mul3A_2, %mul3A_350 : i32
        %dma_wait3A_352 = tpu.memref_slice %arg2[%add3A_351] : memref<819200xi32, #tpu.memory_space<hbm>> -> memref<200xi32, #tpu.memory_space<hbm>>
        %dma_wait3A_353 = tpu.memref_slice %arg2[%add3A_351] : memref<819200xi32, #tpu.memory_space<hbm>> -> memref<200xi32, #tpu.memory_space<hbm>>
        tpu.wait_dma2 semaphore(%arg14 : memref<!tpu.dma_semaphore, #tpu.memory_space<semaphore_mem>>) src(%dma_wait3A_353 : memref<200xi32, #tpu.memory_space<hbm>>) dst(%arg8 : memref<200xi32, #tpu.memory_space<vmem>>)
        %dma_start3A_354 = arith.constant 2 : i32
        %dma_start3A_355 = arith.constant 0 : i32
        %dma_start3A_356 = arith.constant 0 : i32
        %dma_start3A_357 = tpu.memref_slice %arg10[%dma_start3A_354, %dma_start3A_355, %dma_start3A_356] : memref<4x200x128xf32, #tpu.memory_space<vmem>> -> memref<1x104x128xf32, #tpu.memory_space<vmem>>
        %dma_start3A_358 = tpu.memref_squeeze %dma_start3A_357 : memref<1x104x128xf32, #tpu.memory_space<vmem>> -> memref<104x128xf32, #tpu.memory_space<vmem>>
        %dma_start3A_359 = arith.constant 0 : i32
        %dma_start3A_360 = tpu.memref_slice %arg8[%dma_start3A_359] : memref<200xi32, #tpu.memory_space<vmem>> -> memref<104xi32, #tpu.memory_space<vmem>>
        %dma_start3A_361 = arith.constant 0 : i32
        %dma_start3A_362 = arith.constant 0 : i32
        %dma_start3A_363 = tpu.memref_slice %arg3[%dma_start3A_361, %dma_start3A_362] : memref<100000x128xf32, #tpu.memory_space<hbm>> -> memref<100000x128xf32, #tpu.memory_space<hbm>>
        tpu.enqueue_indirect_dma source(%dma_start3A_363 : memref<100000x128xf32, #tpu.memory_space<hbm>>) target(%dma_start3A_358 : memref<104x128xf32, #tpu.memory_space<vmem>>) offsets(%dma_start3A_360 : memref<104xi32, #tpu.memory_space<vmem>>) semaphore(%arg18 : memref<!tpu.dma_semaphore, #tpu.memory_space<semaphore_mem>>)
        %dma_start3A_364 = arith.constant 2 : i32
        %dma_start3A_365 = arith.constant 104 : i32
        %dma_start3A_366 = arith.constant 0 : i32
        %dma_start3A_367 = tpu.memref_slice %arg10[%dma_start3A_364, %dma_start3A_365, %dma_start3A_366] : memref<4x200x128xf32, #tpu.memory_space<vmem>> -> memref<1x96x128xf32, #tpu.memory_space<vmem>>
        %dma_start3A_368 = tpu.memref_squeeze %dma_start3A_367 : memref<1x96x128xf32, #tpu.memory_space<vmem>> -> memref<96x128xf32, #tpu.memory_space<vmem>>
        %dma_start3A_369 = arith.constant 104 : i32
        %dma_start3A_370 = tpu.memref_slice %arg8[%dma_start3A_369] : memref<200xi32, #tpu.memory_space<vmem>> -> memref<96xi32, #tpu.memory_space<vmem>>
        %dma_start3A_371 = arith.constant 0 : i32
        %dma_start3A_372 = arith.constant 0 : i32
        %dma_start3A_373 = tpu.memref_slice %arg3[%dma_start3A_371, %dma_start3A_372] : memref<100000x128xf32, #tpu.memory_space<hbm>> -> memref<100000x128xf32, #tpu.memory_space<hbm>>
        tpu.enqueue_indirect_dma source(%dma_start3A_373 : memref<100000x128xf32, #tpu.memory_space<hbm>>) target(%dma_start3A_368 : memref<96x128xf32, #tpu.memory_space<vmem>>) offsets(%dma_start3A_370 : memref<96xi32, #tpu.memory_space<vmem>>) semaphore(%arg18 : memref<!tpu.dma_semaphore, #tpu.memory_space<semaphore_mem>>)
      } else {
      }
      %add3A_135 = arith.constant 1 : i32
      %add3A_136 = arith.addi %add3A_132, %add3A_135 : i32
      %lt3A_137 = arith.constant 128 : i32
      %lt3A_138 = arith.cmpi slt, %add3A_136, %lt3A_137 : i32
      %convert_element_type3A_139 = arith.extui %lt3A_138 : i1 to i32
      %cond3A_140 = arith.constant 0 : i32
      %cond3A_141 = arith.cmpi ne, %convert_element_type3A_139, %cond3A_140 : i32
      scf.if %cond3A_141 {
        %add3A_345 = arith.constant 1 : i32
        %add3A_346 = arith.addi %add3A_132, %add3A_345 : i32
        %mul3A_347 = arith.constant 200 : i32
        %mul3A_348 = arith.muli %add3A_346, %mul3A_347 : i32
        %add3A_349 = arith.addi %mul3A_2, %mul3A_348 : i32
        %dma_start3A_350 = tpu.memref_slice %arg2[%add3A_349] : memref<819200xi32, #tpu.memory_space<hbm>> -> memref<200xi32, #tpu.memory_space<hbm>>
        %dma_start3A_351 = tpu.memref_slice %arg2[%add3A_349] : memref<819200xi32, #tpu.memory_space<hbm>> -> memref<200xi32, #tpu.memory_space<hbm>>
        tpu.enqueue_dma source(%dma_start3A_351 : memref<200xi32, #tpu.memory_space<hbm>>) target(%arg9 : memref<200xi32, #tpu.memory_space<vmem>>) target_semaphore(%arg15 : memref<!tpu.dma_semaphore, #tpu.memory_space<semaphore_mem>>)
      } else {
      }
      %dma_wait3A_142 = arith.constant 0 : i32
      %dma_wait3A_143 = arith.constant 0 : i32
      %dma_wait3A_144 = arith.constant 0 : i32
      %dma_wait3A_145 = tpu.memref_slice %arg10[%dma_wait3A_142, %dma_wait3A_143, %dma_wait3A_144] : memref<4x200x128xf32, #tpu.memory_space<vmem>> -> memref<1x104x128xf32, #tpu.memory_space<vmem>>
      %dma_wait3A_146 = tpu.memref_squeeze %dma_wait3A_145 : memref<1x104x128xf32, #tpu.memory_space<vmem>> -> memref<104x128xf32, #tpu.memory_space<vmem>>
      %dma_wait3A_147 = arith.constant 0 : i32
      %dma_wait3A_148 = tpu.memref_slice %arg6[%dma_wait3A_147] : memref<200xi32, #tpu.memory_space<vmem>> -> memref<104xi32, #tpu.memory_space<vmem>>
      %dma_wait3A_149 = arith.constant 0 : i32
      %dma_wait3A_150 = arith.constant 0 : i32
      %dma_wait3A_151 = tpu.memref_slice %arg3[%dma_wait3A_149, %dma_wait3A_150] : memref<100000x128xf32, #tpu.memory_space<hbm>> -> memref<100000x128xf32, #tpu.memory_space<hbm>>
      tpu.wait_indirect_dma semaphore(%arg16 : memref<!tpu.dma_semaphore, #tpu.memory_space<semaphore_mem>>) src(%dma_wait3A_151 : memref<100000x128xf32, #tpu.memory_space<hbm>>) dst(%dma_wait3A_146 : memref<104x128xf32, #tpu.memory_space<vmem>>)
      %dma_wait3A_152 = arith.constant 0 : i32
      %dma_wait3A_153 = arith.constant 104 : i32
      %dma_wait3A_154 = arith.constant 0 : i32
      %dma_wait3A_155 = tpu.memref_slice %arg10[%dma_wait3A_152, %dma_wait3A_153, %dma_wait3A_154] : memref<4x200x128xf32, #tpu.memory_space<vmem>> -> memref<1x96x128xf32, #tpu.memory_space<vmem>>
      %dma_wait3A_156 = tpu.memref_squeeze %dma_wait3A_155 : memref<1x96x128xf32, #tpu.memory_space<vmem>> -> memref<96x128xf32, #tpu.memory_space<vmem>>
      %dma_wait3A_157 = arith.constant 104 : i32
      %dma_wait3A_158 = tpu.memref_slice %arg6[%dma_wait3A_157] : memref<200xi32, #tpu.memory_space<vmem>> -> memref<96xi32, #tpu.memory_space<vmem>>
      %dma_wait3A_159 = arith.constant 0 : i32
      %dma_wait3A_160 = arith.constant 0 : i32
      %dma_wait3A_161 = tpu.memref_slice %arg3[%dma_wait3A_159, %dma_wait3A_160] : memref<100000x128xf32, #tpu.memory_space<hbm>> -> memref<100000x128xf32, #tpu.memory_space<hbm>>
      tpu.wait_indirect_dma semaphore(%arg16 : memref<!tpu.dma_semaphore, #tpu.memory_space<semaphore_mem>>) src(%dma_wait3A_161 : memref<100000x128xf32, #tpu.memory_space<hbm>>) dst(%dma_wait3A_156 : memref<96x128xf32, #tpu.memory_space<vmem>>)
      %parallel_loop3A = arith.constant 0 : i32
      %parallel_loop3A_162 = arith.constant 200 : i32
      %parallel_loop3A_163 = arith.constant 1 : i32
      scf.for %parallel_loop3A_345 = %parallel_loop3A to %parallel_loop3A_162 step %parallel_loop3A_163  : i32 {
        %parallel_loop3A_346 = arith.constant 0 : i32
        %parallel_loop3A_347 = arith.index_cast %parallel_loop3A_346 : i32 to index
        %parallel_loop3A_348 = arith.index_cast %parallel_loop3A_345 : i32 to index
        %parallel_loop3A_349 = arith.constant 0 : index
        %parallel_loop3A_350 = tpu.vector_load %arg10[%parallel_loop3A_347, %parallel_loop3A_348, %parallel_loop3A_349] {strides = array<i32>} : memref<4x200x128xf32, #tpu.memory_space<vmem>>, vector<1x1x16xf32>,
        %parallel_loop3A_351 = vector.shape_cast %parallel_loop3A_350 : vector<1x1x16xf32> to vector<16xf32>
        %parallel_loop3A_352 = arith.index_cast %parallel_loop3A_345 : i32 to index
        %parallel_loop3A_353 = arith.constant 0 : index
        %parallel_loop3A_354 = tpu.vector_load %arg11[%parallel_loop3A_352, %parallel_loop3A_353] {strides = array<i32>} : memref<200x128xf32, #tpu.memory_space<vmem>>, vector<1x16xf32>,
        %parallel_loop3A_355 = vector.shape_cast %parallel_loop3A_354 : vector<1x16xf32> to vector<16xf32>
        %parallel_loop3A_356 = arith.addf %parallel_loop3A_351, %parallel_loop3A_355 : vector<16xf32>
        %parallel_loop3A_357 = arith.constant 0 : i32
        %parallel_loop3A_358 = arith.index_cast %parallel_loop3A_357 : i32 to index
        %parallel_loop3A_359 = arith.index_cast %parallel_loop3A_345 : i32 to index
        %parallel_loop3A_360 = arith.constant 0 : index
        %parallel_loop3A_361 = tpu.vector_load %arg10[%parallel_loop3A_358, %parallel_loop3A_359, %parallel_loop3A_360] {strides = array<i32>} : memref<4x200x128xf32, #tpu.memory_space<vmem>>, vector<1x1x16xf32>,
        %parallel_loop3A_362 = vector.shape_cast %parallel_loop3A_361 : vector<1x1x16xf32> to vector<16xf32>
        %parallel_loop3A_363 = vector.shape_cast %parallel_loop3A_356 : vector<16xf32> to vector<1x1x16xf32>
        tpu.vector_store %arg10[%parallel_loop3A_358, %parallel_loop3A_359, %parallel_loop3A_360], %parallel_loop3A_363 {strides = array<i32>} : memref<4x200x128xf32, #tpu.memory_space<vmem>>, vector<1x1x16xf32>,
        %parallel_loop3A_364 = arith.constant 0 : i32
        %parallel_loop3A_365 = arith.index_cast %parallel_loop3A_364 : i32 to index
        %parallel_loop3A_366 = arith.index_cast %parallel_loop3A_345 : i32 to index
        %parallel_loop3A_367 = arith.constant 16 : index
        %parallel_loop3A_368 = tpu.vector_load %arg10[%parallel_loop3A_365, %parallel_loop3A_366, %parallel_loop3A_367] {strides = array<i32>} : memref<4x200x128xf32, #tpu.memory_space<vmem>>, vector<1x1x16xf32>,
        %parallel_loop3A_369 = vector.shape_cast %parallel_loop3A_368 : vector<1x1x16xf32> to vector<16xf32>
        %parallel_loop3A_370 = arith.index_cast %parallel_loop3A_345 : i32 to index
        %parallel_loop3A_371 = arith.constant 16 : index
        %parallel_loop3A_372 = tpu.vector_load %arg11[%parallel_loop3A_370, %parallel_loop3A_371] {strides = array<i32>} : memref<200x128xf32, #tpu.memory_space<vmem>>, vector<1x16xf32>,
        %parallel_loop3A_373 = vector.shape_cast %parallel_loop3A_372 : vector<1x16xf32> to vector<16xf32>
        %parallel_loop3A_374 = arith.addf %parallel_loop3A_369, %parallel_loop3A_373 : vector<16xf32>
        %parallel_loop3A_375 = arith.constant 0 : i32
        %parallel_loop3A_376 = arith.index_cast %parallel_loop3A_375 : i32 to index
        %parallel_loop3A_377 = arith.index_cast %parallel_loop3A_345 : i32 to index
        %parallel_loop3A_378 = arith.constant 16 : index
        %parallel_loop3A_379 = tpu.vector_load %arg10[%parallel_loop3A_376, %parallel_loop3A_377, %parallel_loop3A_378] {strides = array<i32>} : memref<4x200x128xf32, #tpu.memory_space<vmem>>, vector<1x1x16xf32>,
        %parallel_loop3A_380 = vector.shape_cast %parallel_loop3A_379 : vector<1x1x16xf32> to vector<16xf32>
        %parallel_loop3A_381 = vector.shape_cast %parallel_loop3A_374 : vector<16xf32> to vector<1x1x16xf32>
        tpu.vector_store %arg10[%parallel_loop3A_376, %parallel_loop3A_377, %parallel_loop3A_378], %parallel_loop3A_381 {strides = array<i32>} : memref<4x200x128xf32, #tpu.memory_space<vmem>>, vector<1x1x16xf32>,
        %parallel_loop3A_382 = arith.constant 0 : i32
        %parallel_loop3A_383 = arith.index_cast %parallel_loop3A_382 : i32 to index
        %parallel_loop3A_384 = arith.index_cast %parallel_loop3A_345 : i32 to index
        %parallel_loop3A_385 = arith.constant 32 : index
        %parallel_loop3A_386 = tpu.vector_load %arg10[%parallel_loop3A_383, %parallel_loop3A_384, %parallel_loop3A_385] {strides = array<i32>} : memref<4x200x128xf32, #tpu.memory_space<vmem>>, vector<1x1x16xf32>,
        %parallel_loop3A_387 = vector.shape_cast %parallel_loop3A_386 : vector<1x1x16xf32> to vector<16xf32>
        %parallel_loop3A_388 = arith.index_cast %parallel_loop3A_345 : i32 to index
        %parallel_loop3A_389 = arith.constant 32 : index
        %parallel_loop3A_390 = tpu.vector_load %arg11[%parallel_loop3A_388, %parallel_loop3A_389] {strides = array<i32>} : memref<200x128xf32, #tpu.memory_space<vmem>>, vector<1x16xf32>,
        %parallel_loop3A_391 = vector.shape_cast %parallel_loop3A_390 : vector<1x16xf32> to vector<16xf32>
        %parallel_loop3A_392 = arith.addf %parallel_loop3A_387, %parallel_loop3A_391 : vector<16xf32>
        %parallel_loop3A_393 = arith.constant 0 : i32
        %parallel_loop3A_394 = arith.index_cast %parallel_loop3A_393 : i32 to index
        %parallel_loop3A_395 = arith.index_cast %parallel_loop3A_345 : i32 to index
        %parallel_loop3A_396 = arith.constant 32 : index
        %parallel_loop3A_397 = tpu.vector_load %arg10[%parallel_loop3A_394, %parallel_loop3A_395, %parallel_loop3A_396] {strides = array<i32>} : memref<4x200x128xf32, #tpu.memory_space<vmem>>, vector<1x1x16xf32>,
        %parallel_loop3A_398 = vector.shape_cast %parallel_loop3A_397 : vector<1x1x16xf32> to vector<16xf32>
        %parallel_loop3A_399 = vector.shape_cast %parallel_loop3A_392 : vector<16xf32> to vector<1x1x16xf32>
        tpu.vector_store %arg10[%parallel_loop3A_394, %parallel_loop3A_395, %parallel_loop3A_396], %parallel_loop3A_399 {strides = array<i32>} : memref<4x200x128xf32, #tpu.memory_space<vmem>>, vector<1x1x16xf32>,
        %parallel_loop3A_400 = arith.constant 0 : i32
        %parallel_loop3A_401 = arith.index_cast %parallel_loop3A_400 : i32 to index
        %parallel_loop3A_402 = arith.index_cast %parallel_loop3A_345 : i32 to index
        %parallel_loop3A_403 = arith.constant 48 : index
        %parallel_loop3A_404 = tpu.vector_load %arg10[%parallel_loop3A_401, %parallel_loop3A_402, %parallel_loop3A_403] {strides = array<i32>} : memref<4x200x128xf32, #tpu.memory_space<vmem>>, vector<1x1x16xf32>,
        %parallel_loop3A_405 = vector.shape_cast %parallel_loop3A_404 : vector<1x1x16xf32> to vector<16xf32>
        %parallel_loop3A_406 = arith.index_cast %parallel_loop3A_345 : i32 to index
        %parallel_loop3A_407 = arith.constant 48 : index
        %parallel_loop3A_408 = tpu.vector_load %arg11[%parallel_loop3A_406, %parallel_loop3A_407] {strides = array<i32>} : memref<200x128xf32, #tpu.memory_space<vmem>>, vector<1x16xf32>,
        %parallel_loop3A_409 = vector.shape_cast %parallel_loop3A_408 : vector<1x16xf32> to vector<16xf32>
        %parallel_loop3A_410 = arith.addf %parallel_loop3A_405, %parallel_loop3A_409 : vector<16xf32>
        %parallel_loop3A_411 = arith.constant 0 : i32
        %parallel_loop3A_412 = arith.index_cast %parallel_loop3A_411 : i32 to index
        %parallel_loop3A_413 = arith.index_cast %parallel_loop3A_345 : i32 to index
        %parallel_loop3A_414 = arith.constant 48 : index
        %parallel_loop3A_415 = tpu.vector_load %arg10[%parallel_loop3A_412, %parallel_loop3A_413, %parallel_loop3A_414] {strides = array<i32>} : memref<4x200x128xf32, #tpu.memory_space<vmem>>, vector<1x1x16xf32>,
        %parallel_loop3A_416 = vector.shape_cast %parallel_loop3A_415 : vector<1x1x16xf32> to vector<16xf32>
        %parallel_loop3A_417 = vector.shape_cast %parallel_loop3A_410 : vector<16xf32> to vector<1x1x16xf32>
        tpu.vector_store %arg10[%parallel_loop3A_412, %parallel_loop3A_413, %parallel_loop3A_414], %parallel_loop3A_417 {strides = array<i32>} : memref<4x200x128xf32, #tpu.memory_space<vmem>>, vector<1x1x16xf32>,
        %parallel_loop3A_418 = arith.constant 0 : i32
        %parallel_loop3A_419 = arith.index_cast %parallel_loop3A_418 : i32 to index
        %parallel_loop3A_420 = arith.index_cast %parallel_loop3A_345 : i32 to index
        %parallel_loop3A_421 = arith.constant 64 : index
        %parallel_loop3A_422 = tpu.vector_load %arg10[%parallel_loop3A_419, %parallel_loop3A_420, %parallel_loop3A_421] {strides = array<i32>} : memref<4x200x128xf32, #tpu.memory_space<vmem>>, vector<1x1x16xf32>,
        %parallel_loop3A_423 = vector.shape_cast %parallel_loop3A_422 : vector<1x1x16xf32> to vector<16xf32>
        %parallel_loop3A_424 = arith.index_cast %parallel_loop3A_345 : i32 to index
        %parallel_loop3A_425 = arith.constant 64 : index
        %parallel_loop3A_426 = tpu.vector_load %arg11[%parallel_loop3A_424, %parallel_loop3A_425] {strides = array<i32>} : memref<200x128xf32, #tpu.memory_space<vmem>>, vector<1x16xf32>,
        %parallel_loop3A_427 = vector.shape_cast %parallel_loop3A_426 : vector<1x16xf32> to vector<16xf32>
        %parallel_loop3A_428 = arith.addf %parallel_loop3A_423, %parallel_loop3A_427 : vector<16xf32>
        %parallel_loop3A_429 = arith.constant 0 : i32
        %parallel_loop3A_430 = arith.index_cast %parallel_loop3A_429 : i32 to index
        %parallel_loop3A_431 = arith.index_cast %parallel_loop3A_345 : i32 to index
        %parallel_loop3A_432 = arith.constant 64 : index
        %parallel_loop3A_433 = tpu.vector_load %arg10[%parallel_loop3A_430, %parallel_loop3A_431, %parallel_loop3A_432] {strides = array<i32>} : memref<4x200x128xf32, #tpu.memory_space<vmem>>, vector<1x1x16xf32>,
        %parallel_loop3A_434 = vector.shape_cast %parallel_loop3A_433 : vector<1x1x16xf32> to vector<16xf32>
        %parallel_loop3A_435 = vector.shape_cast %parallel_loop3A_428 : vector<16xf32> to vector<1x1x16xf32>
        tpu.vector_store %arg10[%parallel_loop3A_430, %parallel_loop3A_431, %parallel_loop3A_432], %parallel_loop3A_435 {strides = array<i32>} : memref<4x200x128xf32, #tpu.memory_space<vmem>>, vector<1x1x16xf32>,
        %parallel_loop3A_436 = arith.constant 0 : i32
        %parallel_loop3A_437 = arith.index_cast %parallel_loop3A_436 : i32 to index
        %parallel_loop3A_438 = arith.index_cast %parallel_loop3A_345 : i32 to index
        %parallel_loop3A_439 = arith.constant 80 : index
        %parallel_loop3A_440 = tpu.vector_load %arg10[%parallel_loop3A_437, %parallel_loop3A_438, %parallel_loop3A_439] {strides = array<i32>} : memref<4x200x128xf32, #tpu.memory_space<vmem>>, vector<1x1x16xf32>,
        %parallel_loop3A_441 = vector.shape_cast %parallel_loop3A_440 : vector<1x1x16xf32> to vector<16xf32>
        %parallel_loop3A_442 = arith.index_cast %parallel_loop3A_345 : i32 to index
        %parallel_loop3A_443 = arith.constant 80 : index
        %parallel_loop3A_444 = tpu.vector_load %arg11[%parallel_loop3A_442, %parallel_loop3A_443] {strides = array<i32>} : memref<200x128xf32, #tpu.memory_space<vmem>>, vector<1x16xf32>,
        %parallel_loop3A_445 = vector.shape_cast %parallel_loop3A_444 : vector<1x16xf32> to vector<16xf32>
        %parallel_loop3A_446 = arith.addf %parallel_loop3A_441, %parallel_loop3A_445 : vector<16xf32>
        %parallel_loop3A_447 = arith.constant 0 : i32
        %parallel_loop3A_448 = arith.index_cast %parallel_loop3A_447 : i32 to index
        %parallel_loop3A_449 = arith.index_cast %parallel_loop3A_345 : i32 to index
        %parallel_loop3A_450 = arith.constant 80 : index
        %parallel_loop3A_451 = tpu.vector_load %arg10[%parallel_loop3A_448, %parallel_loop3A_449, %parallel_loop3A_450] {strides = array<i32>} : memref<4x200x128xf32, #tpu.memory_space<vmem>>, vector<1x1x16xf32>,
        %parallel_loop3A_452 = vector.shape_cast %parallel_loop3A_451 : vector<1x1x16xf32> to vector<16xf32>
        %parallel_loop3A_453 = vector.shape_cast %parallel_loop3A_446 : vector<16xf32> to vector<1x1x16xf32>
        tpu.vector_store %arg10[%parallel_loop3A_448, %parallel_loop3A_449, %parallel_loop3A_450], %parallel_loop3A_453 {strides = array<i32>} : memref<4x200x128xf32, #tpu.memory_space<vmem>>, vector<1x1x16xf32>,
        %parallel_loop3A_454 = arith.constant 0 : i32
        %parallel_loop3A_455 = arith.index_cast %parallel_loop3A_454 : i32 to index
        %parallel_loop3A_456 = arith.index_cast %parallel_loop3A_345 : i32 to index
        %parallel_loop3A_457 = arith.constant 96 : index
        %parallel_loop3A_458 = tpu.vector_load %arg10[%parallel_loop3A_455, %parallel_loop3A_456, %parallel_loop3A_457] {strides = array<i32>} : memref<4x200x128xf32, #tpu.memory_space<vmem>>, vector<1x1x16xf32>,
        %parallel_loop3A_459 = vector.shape_cast %parallel_loop3A_458 : vector<1x1x16xf32> to vector<16xf32>
        %parallel_loop3A_460 = arith.index_cast %parallel_loop3A_345 : i32 to index
        %parallel_loop3A_461 = arith.constant 96 : index
        %parallel_loop3A_462 = tpu.vector_load %arg11[%parallel_loop3A_460, %parallel_loop3A_461] {strides = array<i32>} : memref<200x128xf32, #tpu.memory_space<vmem>>, vector<1x16xf32>,
        %parallel_loop3A_463 = vector.shape_cast %parallel_loop3A_462 : vector<1x16xf32> to vector<16xf32>
        %parallel_loop3A_464 = arith.addf %parallel_loop3A_459, %parallel_loop3A_463 : vector<16xf32>
        %parallel_loop3A_465 = arith.constant 0 : i32
        %parallel_loop3A_466 = arith.index_cast %parallel_loop3A_465 : i32 to index
        %parallel_loop3A_467 = arith.index_cast %parallel_loop3A_345 : i32 to index
        %parallel_loop3A_468 = arith.constant 96 : index
        %parallel_loop3A_469 = tpu.vector_load %arg10[%parallel_loop3A_466, %parallel_loop3A_467, %parallel_loop3A_468] {strides = array<i32>} : memref<4x200x128xf32, #tpu.memory_space<vmem>>, vector<1x1x16xf32>,
        %parallel_loop3A_470 = vector.shape_cast %parallel_loop3A_469 : vector<1x1x16xf32> to vector<16xf32>
        %parallel_loop3A_471 = vector.shape_cast %parallel_loop3A_464 : vector<16xf32> to vector<1x1x16xf32>
        tpu.vector_store %arg10[%parallel_loop3A_466, %parallel_loop3A_467, %parallel_loop3A_468], %parallel_loop3A_471 {strides = array<i32>} : memref<4x200x128xf32, #tpu.memory_space<vmem>>, vector<1x1x16xf32>,
        %parallel_loop3A_472 = arith.constant 0 : i32
        %parallel_loop3A_473 = arith.index_cast %parallel_loop3A_472 : i32 to index
        %parallel_loop3A_474 = arith.index_cast %parallel_loop3A_345 : i32 to index
        %parallel_loop3A_475 = arith.constant 112 : index
        %parallel_loop3A_476 = tpu.vector_load %arg10[%parallel_loop3A_473, %parallel_loop3A_474, %parallel_loop3A_475] {strides = array<i32>} : memref<4x200x128xf32, #tpu.memory_space<vmem>>, vector<1x1x16xf32>,
        %parallel_loop3A_477 = vector.shape_cast %parallel_loop3A_476 : vector<1x1x16xf32> to vector<16xf32>
        %parallel_loop3A_478 = arith.index_cast %parallel_loop3A_345 : i32 to index
        %parallel_loop3A_479 = arith.constant 112 : index
        %parallel_loop3A_480 = tpu.vector_load %arg11[%parallel_loop3A_478, %parallel_loop3A_479] {strides = array<i32>} : memref<200x128xf32, #tpu.memory_space<vmem>>, vector<1x16xf32>,
        %parallel_loop3A_481 = vector.shape_cast %parallel_loop3A_480 : vector<1x16xf32> to vector<16xf32>
        %parallel_loop3A_482 = arith.addf %parallel_loop3A_477, %parallel_loop3A_481 : vector<16xf32>
        %parallel_loop3A_483 = arith.constant 0 : i32
        %parallel_loop3A_484 = arith.index_cast %parallel_loop3A_483 : i32 to index
        %parallel_loop3A_485 = arith.index_cast %parallel_loop3A_345 : i32 to index
        %parallel_loop3A_486 = arith.constant 112 : index
        %parallel_loop3A_487 = tpu.vector_load %arg10[%parallel_loop3A_484, %parallel_loop3A_485, %parallel_loop3A_486] {strides = array<i32>} : memref<4x200x128xf32, #tpu.memory_space<vmem>>, vector<1x1x16xf32>,
        %parallel_loop3A_488 = vector.shape_cast %parallel_loop3A_487 : vector<1x1x16xf32> to vector<16xf32>
        %parallel_loop3A_489 = vector.shape_cast %parallel_loop3A_482 : vector<16xf32> to vector<1x1x16xf32>
        tpu.vector_store %arg10[%parallel_loop3A_484, %parallel_loop3A_485, %parallel_loop3A_486], %parallel_loop3A_489 {strides = array<i32>} : memref<4x200x128xf32, #tpu.memory_space<vmem>>, vector<1x1x16xf32>,
      } {sc.loop_unroll_factor = 4 : i64, sc.parallel_access}
      %mul3A_164 = arith.constant 200 : i32
      %mul3A_165 = arith.muli %add3A_130, %mul3A_164 : i32
      %add3A_166 = arith.addi %mul3A_2, %mul3A_165 : i32
      %dma_start3A_167 = arith.constant 0 : i32
      %dma_start3A_168 = arith.constant 0 : i32
      %dma_start3A_169 = arith.constant 0 : i32
      %dma_start3A_170 = tpu.memref_slice %arg10[%dma_start3A_167, %dma_start3A_168, %dma_start3A_169] : memref<4x200x128xf32, #tpu.memory_space<vmem>> -> memref<1x200x128xf32, #tpu.memory_space<vmem>>
      %dma_start3A_171 = tpu.memref_squeeze %dma_start3A_170 : memref<1x200x128xf32, #tpu.memory_space<vmem>> -> memref<200x128xf32, #tpu.memory_space<vmem>>
      %dma_start3A_172 = arith.constant 0 : i32
      %dma_start3A_173 = tpu.memref_slice %arg5[%add3A_166, %dma_start3A_172] : memref<819200x128xf32, #tpu.memory_space<hbm>> -> memref<200x128xf32, #tpu.memory_space<hbm>>
      %dma_start3A_174 = arith.constant 0 : i32
      %dma_start3A_175 = tpu.memref_slice %arg5[%add3A_166, %dma_start3A_174] : memref<819200x128xf32, #tpu.memory_space<hbm>> -> memref<200x128xf32, #tpu.memory_space<hbm>>
      %dma_start3A_176 = arith.constant 0 : i32
      %dma_start3A_177 = arith.constant 0 : i32
      %dma_start3A_178 = tpu.memref_slice %arg10[%dma_start3A_167, %dma_start3A_176, %dma_start3A_177] : memref<4x200x128xf32, #tpu.memory_space<vmem>> -> memref<1x200x128xf32, #tpu.memory_space<vmem>>
      %dma_start3A_179 = tpu.memref_squeeze %dma_start3A_178 : memref<1x200x128xf32, #tpu.memory_space<vmem>> -> memref<200x128xf32, #tpu.memory_space<vmem>>
      tpu.enqueue_dma source(%dma_start3A_179 : memref<200x128xf32, #tpu.memory_space<vmem>>) target(%dma_start3A_175 : memref<200x128xf32, #tpu.memory_space<hbm>>) target_semaphore(%arg20 : memref<!tpu.dma_semaphore, #tpu.memory_space<semaphore_mem>>)
      %add3A_180 = arith.constant 1 : i32
      %add3A_181 = arith.addi %mul3A_128, %add3A_180 : i32
      %add3A_182 = arith.constant 2 : i32
      %add3A_183 = arith.addi %add3A_181, %add3A_182 : i32
      %lt3A_184 = arith.constant 128 : i32
      %lt3A_185 = arith.cmpi slt, %add3A_183, %lt3A_184 : i32
      %convert_element_type3A_186 = arith.extui %lt3A_185 : i1 to i32
      %cond3A_187 = arith.constant 0 : i32
      %cond3A_188 = arith.cmpi ne, %convert_element_type3A_186, %cond3A_187 : i32
      scf.if %cond3A_188 {
        %ge3A = arith.constant 2 : i32
        %ge3A_345 = arith.cmpi sge, %add3A_181, %ge3A : i32
        %convert_element_type3A_346 = arith.extui %ge3A_345 : i1 to i32
        %cond3A_347 = arith.constant 0 : i32
        %cond3A_348 = arith.cmpi ne, %convert_element_type3A_346, %cond3A_347 : i32
        scf.if %cond3A_348 {
          %sub3A = arith.constant 4 : i32
          %sub3A_374 = arith.subi %add3A_183, %sub3A : i32
          %mul3A_375 = arith.constant 200 : i32
          %mul3A_376 = arith.muli %sub3A_374, %mul3A_375 : i32
          %add3A_377 = arith.addi %mul3A_2, %mul3A_376 : i32
          %dma_wait3A_378 = arith.constant 3 : i32
          %dma_wait3A_379 = arith.constant 0 : i32
          %dma_wait3A_380 = arith.constant 0 : i32
          %dma_wait3A_381 = tpu.memref_slice %arg10[%dma_wait3A_378, %dma_wait3A_379, %dma_wait3A_380] : memref<4x200x128xf32, #tpu.memory_space<vmem>> -> memref<1x200x128xf32, #tpu.memory_space<vmem>>
          %dma_wait3A_382 = tpu.memref_squeeze %dma_wait3A_381 : memref<1x200x128xf32, #tpu.memory_space<vmem>> -> memref<200x128xf32, #tpu.memory_space<vmem>>
          %dma_wait3A_383 = arith.constant 0 : i32
          %dma_wait3A_384 = tpu.memref_slice %arg5[%add3A_377, %dma_wait3A_383] : memref<819200x128xf32, #tpu.memory_space<hbm>> -> memref<200x128xf32, #tpu.memory_space<hbm>>
          %dma_wait3A_385 = arith.constant 0 : i32
          %dma_wait3A_386 = tpu.memref_slice %arg5[%add3A_377, %dma_wait3A_385] : memref<819200x128xf32, #tpu.memory_space<hbm>> -> memref<200x128xf32, #tpu.memory_space<hbm>>
          %dma_wait3A_387 = arith.constant 0 : i32
          %dma_wait3A_388 = arith.constant 0 : i32
          %dma_wait3A_389 = tpu.memref_slice %arg10[%dma_wait3A_378, %dma_wait3A_387, %dma_wait3A_388] : memref<4x200x128xf32, #tpu.memory_space<vmem>> -> memref<1x200x128xf32, #tpu.memory_space<vmem>>
          %dma_wait3A_390 = tpu.memref_squeeze %dma_wait3A_389 : memref<1x200x128xf32, #tpu.memory_space<vmem>> -> memref<200x128xf32, #tpu.memory_space<vmem>>
          tpu.wait_dma2 semaphore(%arg23 : memref<!tpu.dma_semaphore, #tpu.memory_space<semaphore_mem>>) src(%dma_wait3A_390 : memref<200x128xf32, #tpu.memory_space<vmem>>) dst(%dma_wait3A_386 : memref<200x128xf32, #tpu.memory_space<hbm>>)
        } else {
        }
        %mul3A_349 = arith.constant 200 : i32
        %mul3A_350 = arith.muli %add3A_183, %mul3A_349 : i32
        %add3A_351 = arith.addi %mul3A_2, %mul3A_350 : i32
        %dma_wait3A_352 = tpu.memref_slice %arg2[%add3A_351] : memref<819200xi32, #tpu.memory_space<hbm>> -> memref<200xi32, #tpu.memory_space<hbm>>
        %dma_wait3A_353 = tpu.memref_slice %arg2[%add3A_351] : memref<819200xi32, #tpu.memory_space<hbm>> -> memref<200xi32, #tpu.memory_space<hbm>>
        tpu.wait_dma2 semaphore(%arg15 : memref<!tpu.dma_semaphore, #tpu.memory_space<semaphore_mem>>) src(%dma_wait3A_353 : memref<200xi32, #tpu.memory_space<hbm>>) dst(%arg9 : memref<200xi32, #tpu.memory_space<vmem>>)
        %dma_start3A_354 = arith.constant 3 : i32
        %dma_start3A_355 = arith.constant 0 : i32
        %dma_start3A_356 = arith.constant 0 : i32
        %dma_start3A_357 = tpu.memref_slice %arg10[%dma_start3A_354, %dma_start3A_355, %dma_start3A_356] : memref<4x200x128xf32, #tpu.memory_space<vmem>> -> memref<1x104x128xf32, #tpu.memory_space<vmem>>
        %dma_start3A_358 = tpu.memref_squeeze %dma_start3A_357 : memref<1x104x128xf32, #tpu.memory_space<vmem>> -> memref<104x128xf32, #tpu.memory_space<vmem>>
        %dma_start3A_359 = arith.constant 0 : i32
        %dma_start3A_360 = tpu.memref_slice %arg9[%dma_start3A_359] : memref<200xi32, #tpu.memory_space<vmem>> -> memref<104xi32, #tpu.memory_space<vmem>>
        %dma_start3A_361 = arith.constant 0 : i32
        %dma_start3A_362 = arith.constant 0 : i32
        %dma_start3A_363 = tpu.memref_slice %arg3[%dma_start3A_361, %dma_start3A_362] : memref<100000x128xf32, #tpu.memory_space<hbm>> -> memref<100000x128xf32, #tpu.memory_space<hbm>>
        tpu.enqueue_indirect_dma source(%dma_start3A_363 : memref<100000x128xf32, #tpu.memory_space<hbm>>) target(%dma_start3A_358 : memref<104x128xf32, #tpu.memory_space<vmem>>) offsets(%dma_start3A_360 : memref<104xi32, #tpu.memory_space<vmem>>) semaphore(%arg19 : memref<!tpu.dma_semaphore, #tpu.memory_space<semaphore_mem>>)
        %dma_start3A_364 = arith.constant 3 : i32
        %dma_start3A_365 = arith.constant 104 : i32
        %dma_start3A_366 = arith.constant 0 : i32
        %dma_start3A_367 = tpu.memref_slice %arg10[%dma_start3A_364, %dma_start3A_365, %dma_start3A_366] : memref<4x200x128xf32, #tpu.memory_space<vmem>> -> memref<1x96x128xf32, #tpu.memory_space<vmem>>
        %dma_start3A_368 = tpu.memref_squeeze %dma_start3A_367 : memref<1x96x128xf32, #tpu.memory_space<vmem>> -> memref<96x128xf32, #tpu.memory_space<vmem>>
        %dma_start3A_369 = arith.constant 104 : i32
        %dma_start3A_370 = tpu.memref_slice %arg9[%dma_start3A_369] : memref<200xi32, #tpu.memory_space<vmem>> -> memref<96xi32, #tpu.memory_space<vmem>>
        %dma_start3A_371 = arith.constant 0 : i32
        %dma_start3A_372 = arith.constant 0 : i32
        %dma_start3A_373 = tpu.memref_slice %arg3[%dma_start3A_371, %dma_start3A_372] : memref<100000x128xf32, #tpu.memory_space<hbm>> -> memref<100000x128xf32, #tpu.memory_space<hbm>>
        tpu.enqueue_indirect_dma source(%dma_start3A_373 : memref<100000x128xf32, #tpu.memory_space<hbm>>) target(%dma_start3A_368 : memref<96x128xf32, #tpu.memory_space<vmem>>) offsets(%dma_start3A_370 : memref<96xi32, #tpu.memory_space<vmem>>) semaphore(%arg19 : memref<!tpu.dma_semaphore, #tpu.memory_space<semaphore_mem>>)
      } else {
      }
      %add3A_189 = arith.constant 1 : i32
      %add3A_190 = arith.addi %add3A_183, %add3A_189 : i32
      %lt3A_191 = arith.constant 128 : i32
      %lt3A_192 = arith.cmpi slt, %add3A_190, %lt3A_191 : i32
      %convert_element_type3A_193 = arith.extui %lt3A_192 : i1 to i32
      %cond3A_194 = arith.constant 0 : i32
      %cond3A_195 = arith.cmpi ne, %convert_element_type3A_193, %cond3A_194 : i32
      scf.if %cond3A_195 {
        %add3A_345 = arith.constant 1 : i32
        %add3A_346 = arith.addi %add3A_183, %add3A_345 : i32
        %mul3A_347 = arith.constant 200 : i32
        %mul3A_348 = arith.muli %add3A_346, %mul3A_347 : i32
        %add3A_349 = arith.addi %mul3A_2, %mul3A_348 : i32
        %dma_start3A_350 = tpu.memref_slice %arg2[%add3A_349] : memref<819200xi32, #tpu.memory_space<hbm>> -> memref<200xi32, #tpu.memory_space<hbm>>
        %dma_start3A_351 = tpu.memref_slice %arg2[%add3A_349] : memref<819200xi32, #tpu.memory_space<hbm>> -> memref<200xi32, #tpu.memory_space<hbm>>
        tpu.enqueue_dma source(%dma_start3A_351 : memref<200xi32, #tpu.memory_space<hbm>>) target(%arg6 : memref<200xi32, #tpu.memory_space<vmem>>) target_semaphore(%arg12 : memref<!tpu.dma_semaphore, #tpu.memory_space<semaphore_mem>>)
      } else {
      }
      %dma_wait3A_196 = arith.constant 1 : i32
      %dma_wait3A_197 = arith.constant 0 : i32
      %dma_wait3A_198 = arith.constant 0 : i32
      %dma_wait3A_199 = tpu.memref_slice %arg10[%dma_wait3A_196, %dma_wait3A_197, %dma_wait3A_198] : memref<4x200x128xf32, #tpu.memory_space<vmem>> -> memref<1x104x128xf32, #tpu.memory_space<vmem>>
      %dma_wait3A_200 = tpu.memref_squeeze %dma_wait3A_199 : memref<1x104x128xf32, #tpu.memory_space<vmem>> -> memref<104x128xf32, #tpu.memory_space<vmem>>
      %dma_wait3A_201 = arith.constant 0 : i32
      %dma_wait3A_202 = tpu.memref_slice %arg7[%dma_wait3A_201] : memref<200xi32, #tpu.memory_space<vmem>> -> memref<104xi32, #tpu.memory_space<vmem>>
      %dma_wait3A_203 = arith.constant 0 : i32
      %dma_wait3A_204 = arith.constant 0 : i32
      %dma_wait3A_205 = tpu.memref_slice %arg3[%dma_wait3A_203, %dma_wait3A_204] : memref<100000x128xf32, #tpu.memory_space<hbm>> -> memref<100000x128xf32, #tpu.memory_space<hbm>>
      tpu.wait_indirect_dma semaphore(%arg17 : memref<!tpu.dma_semaphore, #tpu.memory_space<semaphore_mem>>) src(%dma_wait3A_205 : memref<100000x128xf32, #tpu.memory_space<hbm>>) dst(%dma_wait3A_200 : memref<104x128xf32, #tpu.memory_space<vmem>>)
      %dma_wait3A_206 = arith.constant 1 : i32
      %dma_wait3A_207 = arith.constant 104 : i32
      %dma_wait3A_208 = arith.constant 0 : i32
      %dma_wait3A_209 = tpu.memref_slice %arg10[%dma_wait3A_206, %dma_wait3A_207, %dma_wait3A_208] : memref<4x200x128xf32, #tpu.memory_space<vmem>> -> memref<1x96x128xf32, #tpu.memory_space<vmem>>
      %dma_wait3A_210 = tpu.memref_squeeze %dma_wait3A_209 : memref<1x96x128xf32, #tpu.memory_space<vmem>> -> memref<96x128xf32, #tpu.memory_space<vmem>>
      %dma_wait3A_211 = arith.constant 104 : i32
      %dma_wait3A_212 = tpu.memref_slice %arg7[%dma_wait3A_211] : memref<200xi32, #tpu.memory_space<vmem>> -> memref<96xi32, #tpu.memory_space<vmem>>
      %dma_wait3A_213 = arith.constant 0 : i32
      %dma_wait3A_214 = arith.constant 0 : i32
      %dma_wait3A_215 = tpu.memref_slice %arg3[%dma_wait3A_213, %dma_wait3A_214] : memref<100000x128xf32, #tpu.memory_space<hbm>> -> memref<100000x128xf32, #tpu.memory_space<hbm>>
      tpu.wait_indirect_dma semaphore(%arg17 : memref<!tpu.dma_semaphore, #tpu.memory_space<semaphore_mem>>) src(%dma_wait3A_215 : memref<100000x128xf32, #tpu.memory_space<hbm>>) dst(%dma_wait3A_210 : memref<96x128xf32, #tpu.memory_space<vmem>>)
      %parallel_loop3A_216 = arith.constant 0 : i32
      %parallel_loop3A_217 = arith.constant 200 : i32
      %parallel_loop3A_218 = arith.constant 1 : i32
      scf.for %parallel_loop3A_345 = %parallel_loop3A_216 to %parallel_loop3A_217 step %parallel_loop3A_218  : i32 {
        %parallel_loop3A_346 = arith.constant 1 : i32
        %parallel_loop3A_347 = arith.index_cast %parallel_loop3A_346 : i32 to index
        %parallel_loop3A_348 = arith.index_cast %parallel_loop3A_345 : i32 to index
        %parallel_loop3A_349 = arith.constant 0 : index
        %parallel_loop3A_350 = tpu.vector_load %arg10[%parallel_loop3A_347, %parallel_loop3A_348, %parallel_loop3A_349] {strides = array<i32>} : memref<4x200x128xf32, #tpu.memory_space<vmem>>, vector<1x1x16xf32>,
        %parallel_loop3A_351 = vector.shape_cast %parallel_loop3A_350 : vector<1x1x16xf32> to vector<16xf32>
        %parallel_loop3A_352 = arith.index_cast %parallel_loop3A_345 : i32 to index
        %parallel_loop3A_353 = arith.constant 0 : index
        %parallel_loop3A_354 = tpu.vector_load %arg11[%parallel_loop3A_352, %parallel_loop3A_353] {strides = array<i32>} : memref<200x128xf32, #tpu.memory_space<vmem>>, vector<1x16xf32>,
        %parallel_loop3A_355 = vector.shape_cast %parallel_loop3A_354 : vector<1x16xf32> to vector<16xf32>
        %parallel_loop3A_356 = arith.addf %parallel_loop3A_351, %parallel_loop3A_355 : vector<16xf32>
        %parallel_loop3A_357 = arith.constant 1 : i32
        %parallel_loop3A_358 = arith.index_cast %parallel_loop3A_357 : i32 to index
        %parallel_loop3A_359 = arith.index_cast %parallel_loop3A_345 : i32 to index
        %parallel_loop3A_360 = arith.constant 0 : index
        %parallel_loop3A_361 = tpu.vector_load %arg10[%parallel_loop3A_358, %parallel_loop3A_359, %parallel_loop3A_360] {strides = array<i32>} : memref<4x200x128xf32, #tpu.memory_space<vmem>>, vector<1x1x16xf32>,
        %parallel_loop3A_362 = vector.shape_cast %parallel_loop3A_361 : vector<1x1x16xf32> to vector<16xf32>
        %parallel_loop3A_363 = vector.shape_cast %parallel_loop3A_356 : vector<16xf32> to vector<1x1x16xf32>
        tpu.vector_store %arg10[%parallel_loop3A_358, %parallel_loop3A_359, %parallel_loop3A_360], %parallel_loop3A_363 {strides = array<i32>} : memref<4x200x128xf32, #tpu.memory_space<vmem>>, vector<1x1x16xf32>,
        %parallel_loop3A_364 = arith.constant 1 : i32
        %parallel_loop3A_365 = arith.index_cast %parallel_loop3A_364 : i32 to index
        %parallel_loop3A_366 = arith.index_cast %parallel_loop3A_345 : i32 to index
        %parallel_loop3A_367 = arith.constant 16 : index
        %parallel_loop3A_368 = tpu.vector_load %arg10[%parallel_loop3A_365, %parallel_loop3A_366, %parallel_loop3A_367] {strides = array<i32>} : memref<4x200x128xf32, #tpu.memory_space<vmem>>, vector<1x1x16xf32>,
        %parallel_loop3A_369 = vector.shape_cast %parallel_loop3A_368 : vector<1x1x16xf32> to vector<16xf32>
        %parallel_loop3A_370 = arith.index_cast %parallel_loop3A_345 : i32 to index
        %parallel_loop3A_371 = arith.constant 16 : index
        %parallel_loop3A_372 = tpu.vector_load %arg11[%parallel_loop3A_370, %parallel_loop3A_371] {strides = array<i32>} : memref<200x128xf32, #tpu.memory_space<vmem>>, vector<1x16xf32>,
        %parallel_loop3A_373 = vector.shape_cast %parallel_loop3A_372 : vector<1x16xf32> to vector<16xf32>
        %parallel_loop3A_374 = arith.addf %parallel_loop3A_369, %parallel_loop3A_373 : vector<16xf32>
        %parallel_loop3A_375 = arith.constant 1 : i32
        %parallel_loop3A_376 = arith.index_cast %parallel_loop3A_375 : i32 to index
        %parallel_loop3A_377 = arith.index_cast %parallel_loop3A_345 : i32 to index
        %parallel_loop3A_378 = arith.constant 16 : index
        %parallel_loop3A_379 = tpu.vector_load %arg10[%parallel_loop3A_376, %parallel_loop3A_377, %parallel_loop3A_378] {strides = array<i32>} : memref<4x200x128xf32, #tpu.memory_space<vmem>>, vector<1x1x16xf32>,
        %parallel_loop3A_380 = vector.shape_cast %parallel_loop3A_379 : vector<1x1x16xf32> to vector<16xf32>
        %parallel_loop3A_381 = vector.shape_cast %parallel_loop3A_374 : vector<16xf32> to vector<1x1x16xf32>
        tpu.vector_store %arg10[%parallel_loop3A_376, %parallel_loop3A_377, %parallel_loop3A_378], %parallel_loop3A_381 {strides = array<i32>} : memref<4x200x128xf32, #tpu.memory_space<vmem>>, vector<1x1x16xf32>,
        %parallel_loop3A_382 = arith.constant 1 : i32
        %parallel_loop3A_383 = arith.index_cast %parallel_loop3A_382 : i32 to index
        %parallel_loop3A_384 = arith.index_cast %parallel_loop3A_345 : i32 to index
        %parallel_loop3A_385 = arith.constant 32 : index
        %parallel_loop3A_386 = tpu.vector_load %arg10[%parallel_loop3A_383, %parallel_loop3A_384, %parallel_loop3A_385] {strides = array<i32>} : memref<4x200x128xf32, #tpu.memory_space<vmem>>, vector<1x1x16xf32>,
        %parallel_loop3A_387 = vector.shape_cast %parallel_loop3A_386 : vector<1x1x16xf32> to vector<16xf32>
        %parallel_loop3A_388 = arith.index_cast %parallel_loop3A_345 : i32 to index
        %parallel_loop3A_389 = arith.constant 32 : index
        %parallel_loop3A_390 = tpu.vector_load %arg11[%parallel_loop3A_388, %parallel_loop3A_389] {strides = array<i32>} : memref<200x128xf32, #tpu.memory_space<vmem>>, vector<1x16xf32>,
        %parallel_loop3A_391 = vector.shape_cast %parallel_loop3A_390 : vector<1x16xf32> to vector<16xf32>
        %parallel_loop3A_392 = arith.addf %parallel_loop3A_387, %parallel_loop3A_391 : vector<16xf32>
        %parallel_loop3A_393 = arith.constant 1 : i32
        %parallel_loop3A_394 = arith.index_cast %parallel_loop3A_393 : i32 to index
        %parallel_loop3A_395 = arith.index_cast %parallel_loop3A_345 : i32 to index
        %parallel_loop3A_396 = arith.constant 32 : index
        %parallel_loop3A_397 = tpu.vector_load %arg10[%parallel_loop3A_394, %parallel_loop3A_395, %parallel_loop3A_396] {strides = array<i32>} : memref<4x200x128xf32, #tpu.memory_space<vmem>>, vector<1x1x16xf32>,
        %parallel_loop3A_398 = vector.shape_cast %parallel_loop3A_397 : vector<1x1x16xf32> to vector<16xf32>
        %parallel_loop3A_399 = vector.shape_cast %parallel_loop3A_392 : vector<16xf32> to vector<1x1x16xf32>
        tpu.vector_store %arg10[%parallel_loop3A_394, %parallel_loop3A_395, %parallel_loop3A_396], %parallel_loop3A_399 {strides = array<i32>} : memref<4x200x128xf32, #tpu.memory_space<vmem>>, vector<1x1x16xf32>,
        %parallel_loop3A_400 = arith.constant 1 : i32
        %parallel_loop3A_401 = arith.index_cast %parallel_loop3A_400 : i32 to index
        %parallel_loop3A_402 = arith.index_cast %parallel_loop3A_345 : i32 to index
        %parallel_loop3A_403 = arith.constant 48 : index
        %parallel_loop3A_404 = tpu.vector_load %arg10[%parallel_loop3A_401, %parallel_loop3A_402, %parallel_loop3A_403] {strides = array<i32>} : memref<4x200x128xf32, #tpu.memory_space<vmem>>, vector<1x1x16xf32>,
        %parallel_loop3A_405 = vector.shape_cast %parallel_loop3A_404 : vector<1x1x16xf32> to vector<16xf32>
        %parallel_loop3A_406 = arith.index_cast %parallel_loop3A_345 : i32 to index
        %parallel_loop3A_407 = arith.constant 48 : index
        %parallel_loop3A_408 = tpu.vector_load %arg11[%parallel_loop3A_406, %parallel_loop3A_407] {strides = array<i32>} : memref<200x128xf32, #tpu.memory_space<vmem>>, vector<1x16xf32>,
        %parallel_loop3A_409 = vector.shape_cast %parallel_loop3A_408 : vector<1x16xf32> to vector<16xf32>
        %parallel_loop3A_410 = arith.addf %parallel_loop3A_405, %parallel_loop3A_409 : vector<16xf32>
        %parallel_loop3A_411 = arith.constant 1 : i32
        %parallel_loop3A_412 = arith.index_cast %parallel_loop3A_411 : i32 to index
        %parallel_loop3A_413 = arith.index_cast %parallel_loop3A_345 : i32 to index
        %parallel_loop3A_414 = arith.constant 48 : index
        %parallel_loop3A_415 = tpu.vector_load %arg10[%parallel_loop3A_412, %parallel_loop3A_413, %parallel_loop3A_414] {strides = array<i32>} : memref<4x200x128xf32, #tpu.memory_space<vmem>>, vector<1x1x16xf32>,
        %parallel_loop3A_416 = vector.shape_cast %parallel_loop3A_415 : vector<1x1x16xf32> to vector<16xf32>
        %parallel_loop3A_417 = vector.shape_cast %parallel_loop3A_410 : vector<16xf32> to vector<1x1x16xf32>
        tpu.vector_store %arg10[%parallel_loop3A_412, %parallel_loop3A_413, %parallel_loop3A_414], %parallel_loop3A_417 {strides = array<i32>} : memref<4x200x128xf32, #tpu.memory_space<vmem>>, vector<1x1x16xf32>,
        %parallel_loop3A_418 = arith.constant 1 : i32
        %parallel_loop3A_419 = arith.index_cast %parallel_loop3A_418 : i32 to index
        %parallel_loop3A_420 = arith.index_cast %parallel_loop3A_345 : i32 to index
        %parallel_loop3A_421 = arith.constant 64 : index
        %parallel_loop3A_422 = tpu.vector_load %arg10[%parallel_loop3A_419, %parallel_loop3A_420, %parallel_loop3A_421] {strides = array<i32>} : memref<4x200x128xf32, #tpu.memory_space<vmem>>, vector<1x1x16xf32>,
        %parallel_loop3A_423 = vector.shape_cast %parallel_loop3A_422 : vector<1x1x16xf32> to vector<16xf32>
        %parallel_loop3A_424 = arith.index_cast %parallel_loop3A_345 : i32 to index
        %parallel_loop3A_425 = arith.constant 64 : index
        %parallel_loop3A_426 = tpu.vector_load %arg11[%parallel_loop3A_424, %parallel_loop3A_425] {strides = array<i32>} : memref<200x128xf32, #tpu.memory_space<vmem>>, vector<1x16xf32>,
        %parallel_loop3A_427 = vector.shape_cast %parallel_loop3A_426 : vector<1x16xf32> to vector<16xf32>
        %parallel_loop3A_428 = arith.addf %parallel_loop3A_423, %parallel_loop3A_427 : vector<16xf32>
        %parallel_loop3A_429 = arith.constant 1 : i32
        %parallel_loop3A_430 = arith.index_cast %parallel_loop3A_429 : i32 to index
        %parallel_loop3A_431 = arith.index_cast %parallel_loop3A_345 : i32 to index
        %parallel_loop3A_432 = arith.constant 64 : index
        %parallel_loop3A_433 = tpu.vector_load %arg10[%parallel_loop3A_430, %parallel_loop3A_431, %parallel_loop3A_432] {strides = array<i32>} : memref<4x200x128xf32, #tpu.memory_space<vmem>>, vector<1x1x16xf32>,
        %parallel_loop3A_434 = vector.shape_cast %parallel_loop3A_433 : vector<1x1x16xf32> to vector<16xf32>
        %parallel_loop3A_435 = vector.shape_cast %parallel_loop3A_428 : vector<16xf32> to vector<1x1x16xf32>
        tpu.vector_store %arg10[%parallel_loop3A_430, %parallel_loop3A_431, %parallel_loop3A_432], %parallel_loop3A_435 {strides = array<i32>} : memref<4x200x128xf32, #tpu.memory_space<vmem>>, vector<1x1x16xf32>,
        %parallel_loop3A_436 = arith.constant 1 : i32
        %parallel_loop3A_437 = arith.index_cast %parallel_loop3A_436 : i32 to index
        %parallel_loop3A_438 = arith.index_cast %parallel_loop3A_345 : i32 to index
        %parallel_loop3A_439 = arith.constant 80 : index
        %parallel_loop3A_440 = tpu.vector_load %arg10[%parallel_loop3A_437, %parallel_loop3A_438, %parallel_loop3A_439] {strides = array<i32>} : memref<4x200x128xf32, #tpu.memory_space<vmem>>, vector<1x1x16xf32>,
        %parallel_loop3A_441 = vector.shape_cast %parallel_loop3A_440 : vector<1x1x16xf32> to vector<16xf32>
        %parallel_loop3A_442 = arith.index_cast %parallel_loop3A_345 : i32 to index
        %parallel_loop3A_443 = arith.constant 80 : index
        %parallel_loop3A_444 = tpu.vector_load %arg11[%parallel_loop3A_442, %parallel_loop3A_443] {strides = array<i32>} : memref<200x128xf32, #tpu.memory_space<vmem>>, vector<1x16xf32>,
        %parallel_loop3A_445 = vector.shape_cast %parallel_loop3A_444 : vector<1x16xf32> to vector<16xf32>
        %parallel_loop3A_446 = arith.addf %parallel_loop3A_441, %parallel_loop3A_445 : vector<16xf32>
        %parallel_loop3A_447 = arith.constant 1 : i32
        %parallel_loop3A_448 = arith.index_cast %parallel_loop3A_447 : i32 to index
        %parallel_loop3A_449 = arith.index_cast %parallel_loop3A_345 : i32 to index
        %parallel_loop3A_450 = arith.constant 80 : index
        %parallel_loop3A_451 = tpu.vector_load %arg10[%parallel_loop3A_448, %parallel_loop3A_449, %parallel_loop3A_450] {strides = array<i32>} : memref<4x200x128xf32, #tpu.memory_space<vmem>>, vector<1x1x16xf32>,
        %parallel_loop3A_452 = vector.shape_cast %parallel_loop3A_451 : vector<1x1x16xf32> to vector<16xf32>
        %parallel_loop3A_453 = vector.shape_cast %parallel_loop3A_446 : vector<16xf32> to vector<1x1x16xf32>
        tpu.vector_store %arg10[%parallel_loop3A_448, %parallel_loop3A_449, %parallel_loop3A_450], %parallel_loop3A_453 {strides = array<i32>} : memref<4x200x128xf32, #tpu.memory_space<vmem>>, vector<1x1x16xf32>,
        %parallel_loop3A_454 = arith.constant 1 : i32
        %parallel_loop3A_455 = arith.index_cast %parallel_loop3A_454 : i32 to index
        %parallel_loop3A_456 = arith.index_cast %parallel_loop3A_345 : i32 to index
        %parallel_loop3A_457 = arith.constant 96 : index
        %parallel_loop3A_458 = tpu.vector_load %arg10[%parallel_loop3A_455, %parallel_loop3A_456, %parallel_loop3A_457] {strides = array<i32>} : memref<4x200x128xf32, #tpu.memory_space<vmem>>, vector<1x1x16xf32>,
        %parallel_loop3A_459 = vector.shape_cast %parallel_loop3A_458 : vector<1x1x16xf32> to vector<16xf32>
        %parallel_loop3A_460 = arith.index_cast %parallel_loop3A_345 : i32 to index
        %parallel_loop3A_461 = arith.constant 96 : index
        %parallel_loop3A_462 = tpu.vector_load %arg11[%parallel_loop3A_460, %parallel_loop3A_461] {strides = array<i32>} : memref<200x128xf32, #tpu.memory_space<vmem>>, vector<1x16xf32>,
        %parallel_loop3A_463 = vector.shape_cast %parallel_loop3A_462 : vector<1x16xf32> to vector<16xf32>
        %parallel_loop3A_464 = arith.addf %parallel_loop3A_459, %parallel_loop3A_463 : vector<16xf32>
        %parallel_loop3A_465 = arith.constant 1 : i32
        %parallel_loop3A_466 = arith.index_cast %parallel_loop3A_465 : i32 to index
        %parallel_loop3A_467 = arith.index_cast %parallel_loop3A_345 : i32 to index
        %parallel_loop3A_468 = arith.constant 96 : index
        %parallel_loop3A_469 = tpu.vector_load %arg10[%parallel_loop3A_466, %parallel_loop3A_467, %parallel_loop3A_468] {strides = array<i32>} : memref<4x200x128xf32, #tpu.memory_space<vmem>>, vector<1x1x16xf32>,
        %parallel_loop3A_470 = vector.shape_cast %parallel_loop3A_469 : vector<1x1x16xf32> to vector<16xf32>
        %parallel_loop3A_471 = vector.shape_cast %parallel_loop3A_464 : vector<16xf32> to vector<1x1x16xf32>
        tpu.vector_store %arg10[%parallel_loop3A_466, %parallel_loop3A_467, %parallel_loop3A_468], %parallel_loop3A_471 {strides = array<i32>} : memref<4x200x128xf32, #tpu.memory_space<vmem>>, vector<1x1x16xf32>,
        %parallel_loop3A_472 = arith.constant 1 : i32
        %parallel_loop3A_473 = arith.index_cast %parallel_loop3A_472 : i32 to index
        %parallel_loop3A_474 = arith.index_cast %parallel_loop3A_345 : i32 to index
        %parallel_loop3A_475 = arith.constant 112 : index
        %parallel_loop3A_476 = tpu.vector_load %arg10[%parallel_loop3A_473, %parallel_loop3A_474, %parallel_loop3A_475] {strides = array<i32>} : memref<4x200x128xf32, #tpu.memory_space<vmem>>, vector<1x1x16xf32>,
        %parallel_loop3A_477 = vector.shape_cast %parallel_loop3A_476 : vector<1x1x16xf32> to vector<16xf32>
        %parallel_loop3A_478 = arith.index_cast %parallel_loop3A_345 : i32 to index
        %parallel_loop3A_479 = arith.constant 112 : index
        %parallel_loop3A_480 = tpu.vector_load %arg11[%parallel_loop3A_478, %parallel_loop3A_479] {strides = array<i32>} : memref<200x128xf32, #tpu.memory_space<vmem>>, vector<1x16xf32>,
        %parallel_loop3A_481 = vector.shape_cast %parallel_loop3A_480 : vector<1x16xf32> to vector<16xf32>
        %parallel_loop3A_482 = arith.addf %parallel_loop3A_477, %parallel_loop3A_481 : vector<16xf32>
        %parallel_loop3A_483 = arith.constant 1 : i32
        %parallel_loop3A_484 = arith.index_cast %parallel_loop3A_483 : i32 to index
        %parallel_loop3A_485 = arith.index_cast %parallel_loop3A_345 : i32 to index
        %parallel_loop3A_486 = arith.constant 112 : index
        %parallel_loop3A_487 = tpu.vector_load %arg10[%parallel_loop3A_484, %parallel_loop3A_485, %parallel_loop3A_486] {strides = array<i32>} : memref<4x200x128xf32, #tpu.memory_space<vmem>>, vector<1x1x16xf32>,
        %parallel_loop3A_488 = vector.shape_cast %parallel_loop3A_487 : vector<1x1x16xf32> to vector<16xf32>
        %parallel_loop3A_489 = vector.shape_cast %parallel_loop3A_482 : vector<16xf32> to vector<1x1x16xf32>
        tpu.vector_store %arg10[%parallel_loop3A_484, %parallel_loop3A_485, %parallel_loop3A_486], %parallel_loop3A_489 {strides = array<i32>} : memref<4x200x128xf32, #tpu.memory_space<vmem>>, vector<1x1x16xf32>,
      } {sc.loop_unroll_factor = 4 : i64, sc.parallel_access}
      %mul3A_219 = arith.constant 200 : i32
      %mul3A_220 = arith.muli %add3A_181, %mul3A_219 : i32
      %add3A_221 = arith.addi %mul3A_2, %mul3A_220 : i32
      %dma_start3A_222 = arith.constant 1 : i32
      %dma_start3A_223 = arith.constant 0 : i32
      %dma_start3A_224 = arith.constant 0 : i32
      %dma_start3A_225 = tpu.memref_slice %arg10[%dma_start3A_222, %dma_start3A_223, %dma_start3A_224] : memref<4x200x128xf32, #tpu.memory_space<vmem>> -> memref<1x200x128xf32, #tpu.memory_space<vmem>>
      %dma_start3A_226 = tpu.memref_squeeze %dma_start3A_225 : memref<1x200x128xf32, #tpu.memory_space<vmem>> -> memref<200x128xf32, #tpu.memory_space<vmem>>
      %dma_start3A_227 = arith.constant 0 : i32
      %dma_start3A_228 = tpu.memref_slice %arg5[%add3A_221, %dma_start3A_227] : memref<819200x128xf32, #tpu.memory_space<hbm>> -> memref<200x128xf32, #tpu.memory_space<hbm>>
      %dma_start3A_229 = arith.constant 0 : i32
      %dma_start3A_230 = tpu.memref_slice %arg5[%add3A_221, %dma_start3A_229] : memref<819200x128xf32, #tpu.memory_space<hbm>> -> memref<200x128xf32, #tpu.memory_space<hbm>>
      %dma_start3A_231 = arith.constant 0 : i32
      %dma_start3A_232 = arith.constant 0 : i32
      %dma_start3A_233 = tpu.memref_slice %arg10[%dma_start3A_222, %dma_start3A_231, %dma_start3A_232] : memref<4x200x128xf32, #tpu.memory_space<vmem>> -> memref<1x200x128xf32, #tpu.memory_space<vmem>>
      %dma_start3A_234 = tpu.memref_squeeze %dma_start3A_233 : memref<1x200x128xf32, #tpu.memory_space<vmem>> -> memref<200x128xf32, #tpu.memory_space<vmem>>
      tpu.enqueue_dma source(%dma_start3A_234 : memref<200x128xf32, #tpu.memory_space<vmem>>) target(%dma_start3A_230 : memref<200x128xf32, #tpu.memory_space<hbm>>) target_semaphore(%arg21 : memref<!tpu.dma_semaphore, #tpu.memory_space<semaphore_mem>>)
      %add3A_235 = arith.constant 2 : i32
      %add3A_236 = arith.addi %mul3A_128, %add3A_235 : i32
      %add3A_237 = arith.constant 2 : i32
      %add3A_238 = arith.addi %add3A_236, %add3A_237 : i32
      %lt3A_239 = arith.constant 128 : i32
      %lt3A_240 = arith.cmpi slt, %add3A_238, %lt3A_239 : i32
      %convert_element_type3A_241 = arith.extui %lt3A_240 : i1 to i32
      %cond3A_242 = arith.constant 0 : i32
      %cond3A_243 = arith.cmpi ne, %convert_element_type3A_241, %cond3A_242 : i32
      scf.if %cond3A_243 {
        %ge3A = arith.constant 2 : i32
        %ge3A_345 = arith.cmpi sge, %add3A_236, %ge3A : i32
        %convert_element_type3A_346 = arith.extui %ge3A_345 : i1 to i32
        %cond3A_347 = arith.constant 0 : i32
        %cond3A_348 = arith.cmpi ne, %convert_element_type3A_346, %cond3A_347 : i32
        scf.if %cond3A_348 {
          %sub3A = arith.constant 4 : i32
          %sub3A_374 = arith.subi %add3A_238, %sub3A : i32
          %mul3A_375 = arith.constant 200 : i32
          %mul3A_376 = arith.muli %sub3A_374, %mul3A_375 : i32
          %add3A_377 = arith.addi %mul3A_2, %mul3A_376 : i32
          %dma_wait3A_378 = arith.constant 0 : i32
          %dma_wait3A_379 = arith.constant 0 : i32
          %dma_wait3A_380 = arith.constant 0 : i32
          %dma_wait3A_381 = tpu.memref_slice %arg10[%dma_wait3A_378, %dma_wait3A_379, %dma_wait3A_380] : memref<4x200x128xf32, #tpu.memory_space<vmem>> -> memref<1x200x128xf32, #tpu.memory_space<vmem>>
          %dma_wait3A_382 = tpu.memref_squeeze %dma_wait3A_381 : memref<1x200x128xf32, #tpu.memory_space<vmem>> -> memref<200x128xf32, #tpu.memory_space<vmem>>
          %dma_wait3A_383 = arith.constant 0 : i32
          %dma_wait3A_384 = tpu.memref_slice %arg5[%add3A_377, %dma_wait3A_383] : memref<819200x128xf32, #tpu.memory_space<hbm>> -> memref<200x128xf32, #tpu.memory_space<hbm>>
          %dma_wait3A_385 = arith.constant 0 : i32
          %dma_wait3A_386 = tpu.memref_slice %arg5[%add3A_377, %dma_wait3A_385] : memref<819200x128xf32, #tpu.memory_space<hbm>> -> memref<200x128xf32, #tpu.memory_space<hbm>>
          %dma_wait3A_387 = arith.constant 0 : i32
          %dma_wait3A_388 = arith.constant 0 : i32
          %dma_wait3A_389 = tpu.memref_slice %arg10[%dma_wait3A_378, %dma_wait3A_387, %dma_wait3A_388] : memref<4x200x128xf32, #tpu.memory_space<vmem>> -> memref<1x200x128xf32, #tpu.memory_space<vmem>>
          %dma_wait3A_390 = tpu.memref_squeeze %dma_wait3A_389 : memref<1x200x128xf32, #tpu.memory_space<vmem>> -> memref<200x128xf32, #tpu.memory_space<vmem>>
          tpu.wait_dma2 semaphore(%arg20 : memref<!tpu.dma_semaphore, #tpu.memory_space<semaphore_mem>>) src(%dma_wait3A_390 : memref<200x128xf32, #tpu.memory_space<vmem>>) dst(%dma_wait3A_386 : memref<200x128xf32, #tpu.memory_space<hbm>>)
        } else {
        }
        %mul3A_349 = arith.constant 200 : i32
        %mul3A_350 = arith.muli %add3A_238, %mul3A_349 : i32
        %add3A_351 = arith.addi %mul3A_2, %mul3A_350 : i32
        %dma_wait3A_352 = tpu.memref_slice %arg2[%add3A_351] : memref<819200xi32, #tpu.memory_space<hbm>> -> memref<200xi32, #tpu.memory_space<hbm>>
        %dma_wait3A_353 = tpu.memref_slice %arg2[%add3A_351] : memref<819200xi32, #tpu.memory_space<hbm>> -> memref<200xi32, #tpu.memory_space<hbm>>
        tpu.wait_dma2 semaphore(%arg12 : memref<!tpu.dma_semaphore, #tpu.memory_space<semaphore_mem>>) src(%dma_wait3A_353 : memref<200xi32, #tpu.memory_space<hbm>>) dst(%arg6 : memref<200xi32, #tpu.memory_space<vmem>>)
        %dma_start3A_354 = arith.constant 0 : i32
        %dma_start3A_355 = arith.constant 0 : i32
        %dma_start3A_356 = arith.constant 0 : i32
        %dma_start3A_357 = tpu.memref_slice %arg10[%dma_start3A_354, %dma_start3A_355, %dma_start3A_356] : memref<4x200x128xf32, #tpu.memory_space<vmem>> -> memref<1x104x128xf32, #tpu.memory_space<vmem>>
        %dma_start3A_358 = tpu.memref_squeeze %dma_start3A_357 : memref<1x104x128xf32, #tpu.memory_space<vmem>> -> memref<104x128xf32, #tpu.memory_space<vmem>>
        %dma_start3A_359 = arith.constant 0 : i32
        %dma_start3A_360 = tpu.memref_slice %arg6[%dma_start3A_359] : memref<200xi32, #tpu.memory_space<vmem>> -> memref<104xi32, #tpu.memory_space<vmem>>
        %dma_start3A_361 = arith.constant 0 : i32
        %dma_start3A_362 = arith.constant 0 : i32
        %dma_start3A_363 = tpu.memref_slice %arg3[%dma_start3A_361, %dma_start3A_362] : memref<100000x128xf32, #tpu.memory_space<hbm>> -> memref<100000x128xf32, #tpu.memory_space<hbm>>
        tpu.enqueue_indirect_dma source(%dma_start3A_363 : memref<100000x128xf32, #tpu.memory_space<hbm>>) target(%dma_start3A_358 : memref<104x128xf32, #tpu.memory_space<vmem>>) offsets(%dma_start3A_360 : memref<104xi32, #tpu.memory_space<vmem>>) semaphore(%arg16 : memref<!tpu.dma_semaphore, #tpu.memory_space<semaphore_mem>>)
        %dma_start3A_364 = arith.constant 0 : i32
        %dma_start3A_365 = arith.constant 104 : i32
        %dma_start3A_366 = arith.constant 0 : i32
        %dma_start3A_367 = tpu.memref_slice %arg10[%dma_start3A_364, %dma_start3A_365, %dma_start3A_366] : memref<4x200x128xf32, #tpu.memory_space<vmem>> -> memref<1x96x128xf32, #tpu.memory_space<vmem>>
        %dma_start3A_368 = tpu.memref_squeeze %dma_start3A_367 : memref<1x96x128xf32, #tpu.memory_space<vmem>> -> memref<96x128xf32, #tpu.memory_space<vmem>>
        %dma_start3A_369 = arith.constant 104 : i32
        %dma_start3A_370 = tpu.memref_slice %arg6[%dma_start3A_369] : memref<200xi32, #tpu.memory_space<vmem>> -> memref<96xi32, #tpu.memory_space<vmem>>
        %dma_start3A_371 = arith.constant 0 : i32
        %dma_start3A_372 = arith.constant 0 : i32
        %dma_start3A_373 = tpu.memref_slice %arg3[%dma_start3A_371, %dma_start3A_372] : memref<100000x128xf32, #tpu.memory_space<hbm>> -> memref<100000x128xf32, #tpu.memory_space<hbm>>
        tpu.enqueue_indirect_dma source(%dma_start3A_373 : memref<100000x128xf32, #tpu.memory_space<hbm>>) target(%dma_start3A_368 : memref<96x128xf32, #tpu.memory_space<vmem>>) offsets(%dma_start3A_370 : memref<96xi32, #tpu.memory_space<vmem>>) semaphore(%arg16 : memref<!tpu.dma_semaphore, #tpu.memory_space<semaphore_mem>>)
      } else {
      }
      %add3A_244 = arith.constant 1 : i32
      %add3A_245 = arith.addi %add3A_238, %add3A_244 : i32
      %lt3A_246 = arith.constant 128 : i32
      %lt3A_247 = arith.cmpi slt, %add3A_245, %lt3A_246 : i32
      %convert_element_type3A_248 = arith.extui %lt3A_247 : i1 to i32
      %cond3A_249 = arith.constant 0 : i32
      %cond3A_250 = arith.cmpi ne, %convert_element_type3A_248, %cond3A_249 : i32
      scf.if %cond3A_250 {
        %add3A_345 = arith.constant 1 : i32
        %add3A_346 = arith.addi %add3A_238, %add3A_345 : i32
        %mul3A_347 = arith.constant 200 : i32
        %mul3A_348 = arith.muli %add3A_346, %mul3A_347 : i32
        %add3A_349 = arith.addi %mul3A_2, %mul3A_348 : i32
        %dma_start3A_350 = tpu.memref_slice %arg2[%add3A_349] : memref<819200xi32, #tpu.memory_space<hbm>> -> memref<200xi32, #tpu.memory_space<hbm>>
        %dma_start3A_351 = tpu.memref_slice %arg2[%add3A_349] : memref<819200xi32, #tpu.memory_space<hbm>> -> memref<200xi32, #tpu.memory_space<hbm>>
        tpu.enqueue_dma source(%dma_start3A_351 : memref<200xi32, #tpu.memory_space<hbm>>) target(%arg7 : memref<200xi32, #tpu.memory_space<vmem>>) target_semaphore(%arg13 : memref<!tpu.dma_semaphore, #tpu.memory_space<semaphore_mem>>)
      } else {
      }
      %dma_wait3A_251 = arith.constant 2 : i32
      %dma_wait3A_252 = arith.constant 0 : i32
      %dma_wait3A_253 = arith.constant 0 : i32
      %dma_wait3A_254 = tpu.memref_slice %arg10[%dma_wait3A_251, %dma_wait3A_252, %dma_wait3A_253] : memref<4x200x128xf32, #tpu.memory_space<vmem>> -> memref<1x104x128xf32, #tpu.memory_space<vmem>>
      %dma_wait3A_255 = tpu.memref_squeeze %dma_wait3A_254 : memref<1x104x128xf32, #tpu.memory_space<vmem>> -> memref<104x128xf32, #tpu.memory_space<vmem>>
      %dma_wait3A_256 = arith.constant 0 : i32
      %dma_wait3A_257 = tpu.memref_slice %arg8[%dma_wait3A_256] : memref<200xi32, #tpu.memory_space<vmem>> -> memref<104xi32, #tpu.memory_space<vmem>>
      %dma_wait3A_258 = arith.constant 0 : i32
      %dma_wait3A_259 = arith.constant 0 : i32
      %dma_wait3A_260 = tpu.memref_slice %arg3[%dma_wait3A_258, %dma_wait3A_259] : memref<100000x128xf32, #tpu.memory_space<hbm>> -> memref<100000x128xf32, #tpu.memory_space<hbm>>
      tpu.wait_indirect_dma semaphore(%arg18 : memref<!tpu.dma_semaphore, #tpu.memory_space<semaphore_mem>>) src(%dma_wait3A_260 : memref<100000x128xf32, #tpu.memory_space<hbm>>) dst(%dma_wait3A_255 : memref<104x128xf32, #tpu.memory_space<vmem>>)
      %dma_wait3A_261 = arith.constant 2 : i32
      %dma_wait3A_262 = arith.constant 104 : i32
      %dma_wait3A_263 = arith.constant 0 : i32
      %dma_wait3A_264 = tpu.memref_slice %arg10[%dma_wait3A_261, %dma_wait3A_262, %dma_wait3A_263] : memref<4x200x128xf32, #tpu.memory_space<vmem>> -> memref<1x96x128xf32, #tpu.memory_space<vmem>>
      %dma_wait3A_265 = tpu.memref_squeeze %dma_wait3A_264 : memref<1x96x128xf32, #tpu.memory_space<vmem>> -> memref<96x128xf32, #tpu.memory_space<vmem>>
      %dma_wait3A_266 = arith.constant 104 : i32
      %dma_wait3A_267 = tpu.memref_slice %arg8[%dma_wait3A_266] : memref<200xi32, #tpu.memory_space<vmem>> -> memref<96xi32, #tpu.memory_space<vmem>>
      %dma_wait3A_268 = arith.constant 0 : i32
      %dma_wait3A_269 = arith.constant 0 : i32
      %dma_wait3A_270 = tpu.memref_slice %arg3[%dma_wait3A_268, %dma_wait3A_269] : memref<100000x128xf32, #tpu.memory_space<hbm>> -> memref<100000x128xf32, #tpu.memory_space<hbm>>
      tpu.wait_indirect_dma semaphore(%arg18 : memref<!tpu.dma_semaphore, #tpu.memory_space<semaphore_mem>>) src(%dma_wait3A_270 : memref<100000x128xf32, #tpu.memory_space<hbm>>) dst(%dma_wait3A_265 : memref<96x128xf32, #tpu.memory_space<vmem>>)
      %parallel_loop3A_271 = arith.constant 0 : i32
      %parallel_loop3A_272 = arith.constant 200 : i32
      %parallel_loop3A_273 = arith.constant 1 : i32
      scf.for %parallel_loop3A_345 = %parallel_loop3A_271 to %parallel_loop3A_272 step %parallel_loop3A_273  : i32 {
        %parallel_loop3A_346 = arith.constant 2 : i32
        %parallel_loop3A_347 = arith.index_cast %parallel_loop3A_346 : i32 to index
        %parallel_loop3A_348 = arith.index_cast %parallel_loop3A_345 : i32 to index
        %parallel_loop3A_349 = arith.constant 0 : index
        %parallel_loop3A_350 = tpu.vector_load %arg10[%parallel_loop3A_347, %parallel_loop3A_348, %parallel_loop3A_349] {strides = array<i32>} : memref<4x200x128xf32, #tpu.memory_space<vmem>>, vector<1x1x16xf32>,
        %parallel_loop3A_351 = vector.shape_cast %parallel_loop3A_350 : vector<1x1x16xf32> to vector<16xf32>
        %parallel_loop3A_352 = arith.index_cast %parallel_loop3A_345 : i32 to index
        %parallel_loop3A_353 = arith.constant 0 : index
        %parallel_loop3A_354 = tpu.vector_load %arg11[%parallel_loop3A_352, %parallel_loop3A_353] {strides = array<i32>} : memref<200x128xf32, #tpu.memory_space<vmem>>, vector<1x16xf32>,
        %parallel_loop3A_355 = vector.shape_cast %parallel_loop3A_354 : vector<1x16xf32> to vector<16xf32>
        %parallel_loop3A_356 = arith.addf %parallel_loop3A_351, %parallel_loop3A_355 : vector<16xf32>
        %parallel_loop3A_357 = arith.constant 2 : i32
        %parallel_loop3A_358 = arith.index_cast %parallel_loop3A_357 : i32 to index
        %parallel_loop3A_359 = arith.index_cast %parallel_loop3A_345 : i32 to index
        %parallel_loop3A_360 = arith.constant 0 : index
        %parallel_loop3A_361 = tpu.vector_load %arg10[%parallel_loop3A_358, %parallel_loop3A_359, %parallel_loop3A_360] {strides = array<i32>} : memref<4x200x128xf32, #tpu.memory_space<vmem>>, vector<1x1x16xf32>,
        %parallel_loop3A_362 = vector.shape_cast %parallel_loop3A_361 : vector<1x1x16xf32> to vector<16xf32>
        %parallel_loop3A_363 = vector.shape_cast %parallel_loop3A_356 : vector<16xf32> to vector<1x1x16xf32>
        tpu.vector_store %arg10[%parallel_loop3A_358, %parallel_loop3A_359, %parallel_loop3A_360], %parallel_loop3A_363 {strides = array<i32>} : memref<4x200x128xf32, #tpu.memory_space<vmem>>, vector<1x1x16xf32>,
        %parallel_loop3A_364 = arith.constant 2 : i32
        %parallel_loop3A_365 = arith.index_cast %parallel_loop3A_364 : i32 to index
        %parallel_loop3A_366 = arith.index_cast %parallel_loop3A_345 : i32 to index
        %parallel_loop3A_367 = arith.constant 16 : index
        %parallel_loop3A_368 = tpu.vector_load %arg10[%parallel_loop3A_365, %parallel_loop3A_366, %parallel_loop3A_367] {strides = array<i32>} : memref<4x200x128xf32, #tpu.memory_space<vmem>>, vector<1x1x16xf32>,
        %parallel_loop3A_369 = vector.shape_cast %parallel_loop3A_368 : vector<1x1x16xf32> to vector<16xf32>
        %parallel_loop3A_370 = arith.index_cast %parallel_loop3A_345 : i32 to index
        %parallel_loop3A_371 = arith.constant 16 : index
        %parallel_loop3A_372 = tpu.vector_load %arg11[%parallel_loop3A_370, %parallel_loop3A_371] {strides = array<i32>} : memref<200x128xf32, #tpu.memory_space<vmem>>, vector<1x16xf32>,
        %parallel_loop3A_373 = vector.shape_cast %parallel_loop3A_372 : vector<1x16xf32> to vector<16xf32>
        %parallel_loop3A_374 = arith.addf %parallel_loop3A_369, %parallel_loop3A_373 : vector<16xf32>
        %parallel_loop3A_375 = arith.constant 2 : i32
        %parallel_loop3A_376 = arith.index_cast %parallel_loop3A_375 : i32 to index
        %parallel_loop3A_377 = arith.index_cast %parallel_loop3A_345 : i32 to index
        %parallel_loop3A_378 = arith.constant 16 : index
        %parallel_loop3A_379 = tpu.vector_load %arg10[%parallel_loop3A_376, %parallel_loop3A_377, %parallel_loop3A_378] {strides = array<i32>} : memref<4x200x128xf32, #tpu.memory_space<vmem>>, vector<1x1x16xf32>,
        %parallel_loop3A_380 = vector.shape_cast %parallel_loop3A_379 : vector<1x1x16xf32> to vector<16xf32>
        %parallel_loop3A_381 = vector.shape_cast %parallel_loop3A_374 : vector<16xf32> to vector<1x1x16xf32>
        tpu.vector_store %arg10[%parallel_loop3A_376, %parallel_loop3A_377, %parallel_loop3A_378], %parallel_loop3A_381 {strides = array<i32>} : memref<4x200x128xf32, #tpu.memory_space<vmem>>, vector<1x1x16xf32>,
        %parallel_loop3A_382 = arith.constant 2 : i32
        %parallel_loop3A_383 = arith.index_cast %parallel_loop3A_382 : i32 to index
        %parallel_loop3A_384 = arith.index_cast %parallel_loop3A_345 : i32 to index
        %parallel_loop3A_385 = arith.constant 32 : index
        %parallel_loop3A_386 = tpu.vector_load %arg10[%parallel_loop3A_383, %parallel_loop3A_384, %parallel_loop3A_385] {strides = array<i32>} : memref<4x200x128xf32, #tpu.memory_space<vmem>>, vector<1x1x16xf32>,
        %parallel_loop3A_387 = vector.shape_cast %parallel_loop3A_386 : vector<1x1x16xf32> to vector<16xf32>
        %parallel_loop3A_388 = arith.index_cast %parallel_loop3A_345 : i32 to index
        %parallel_loop3A_389 = arith.constant 32 : index
        %parallel_loop3A_390 = tpu.vector_load %arg11[%parallel_loop3A_388, %parallel_loop3A_389] {strides = array<i32>} : memref<200x128xf32, #tpu.memory_space<vmem>>, vector<1x16xf32>,
        %parallel_loop3A_391 = vector.shape_cast %parallel_loop3A_390 : vector<1x16xf32> to vector<16xf32>
        %parallel_loop3A_392 = arith.addf %parallel_loop3A_387, %parallel_loop3A_391 : vector<16xf32>
        %parallel_loop3A_393 = arith.constant 2 : i32
        %parallel_loop3A_394 = arith.index_cast %parallel_loop3A_393 : i32 to index
        %parallel_loop3A_395 = arith.index_cast %parallel_loop3A_345 : i32 to index
        %parallel_loop3A_396 = arith.constant 32 : index
        %parallel_loop3A_397 = tpu.vector_load %arg10[%parallel_loop3A_394, %parallel_loop3A_395, %parallel_loop3A_396] {strides = array<i32>} : memref<4x200x128xf32, #tpu.memory_space<vmem>>, vector<1x1x16xf32>,
        %parallel_loop3A_398 = vector.shape_cast %parallel_loop3A_397 : vector<1x1x16xf32> to vector<16xf32>
        %parallel_loop3A_399 = vector.shape_cast %parallel_loop3A_392 : vector<16xf32> to vector<1x1x16xf32>
        tpu.vector_store %arg10[%parallel_loop3A_394, %parallel_loop3A_395, %parallel_loop3A_396], %parallel_loop3A_399 {strides = array<i32>} : memref<4x200x128xf32, #tpu.memory_space<vmem>>, vector<1x1x16xf32>,
        %parallel_loop3A_400 = arith.constant 2 : i32
        %parallel_loop3A_401 = arith.index_cast %parallel_loop3A_400 : i32 to index
        %parallel_loop3A_402 = arith.index_cast %parallel_loop3A_345 : i32 to index
        %parallel_loop3A_403 = arith.constant 48 : index
        %parallel_loop3A_404 = tpu.vector_load %arg10[%parallel_loop3A_401, %parallel_loop3A_402, %parallel_loop3A_403] {strides = array<i32>} : memref<4x200x128xf32, #tpu.memory_space<vmem>>, vector<1x1x16xf32>,
        %parallel_loop3A_405 = vector.shape_cast %parallel_loop3A_404 : vector<1x1x16xf32> to vector<16xf32>
        %parallel_loop3A_406 = arith.index_cast %parallel_loop3A_345 : i32 to index
        %parallel_loop3A_407 = arith.constant 48 : index
        %parallel_loop3A_408 = tpu.vector_load %arg11[%parallel_loop3A_406, %parallel_loop3A_407] {strides = array<i32>} : memref<200x128xf32, #tpu.memory_space<vmem>>, vector<1x16xf32>,
        %parallel_loop3A_409 = vector.shape_cast %parallel_loop3A_408 : vector<1x16xf32> to vector<16xf32>
        %parallel_loop3A_410 = arith.addf %parallel_loop3A_405, %parallel_loop3A_409 : vector<16xf32>
        %parallel_loop3A_411 = arith.constant 2 : i32
        %parallel_loop3A_412 = arith.index_cast %parallel_loop3A_411 : i32 to index
        %parallel_loop3A_413 = arith.index_cast %parallel_loop3A_345 : i32 to index
        %parallel_loop3A_414 = arith.constant 48 : index
        %parallel_loop3A_415 = tpu.vector_load %arg10[%parallel_loop3A_412, %parallel_loop3A_413, %parallel_loop3A_414] {strides = array<i32>} : memref<4x200x128xf32, #tpu.memory_space<vmem>>, vector<1x1x16xf32>,
        %parallel_loop3A_416 = vector.shape_cast %parallel_loop3A_415 : vector<1x1x16xf32> to vector<16xf32>
        %parallel_loop3A_417 = vector.shape_cast %parallel_loop3A_410 : vector<16xf32> to vector<1x1x16xf32>
        tpu.vector_store %arg10[%parallel_loop3A_412, %parallel_loop3A_413, %parallel_loop3A_414], %parallel_loop3A_417 {strides = array<i32>} : memref<4x200x128xf32, #tpu.memory_space<vmem>>, vector<1x1x16xf32>,
        %parallel_loop3A_418 = arith.constant 2 : i32
        %parallel_loop3A_419 = arith.index_cast %parallel_loop3A_418 : i32 to index
        %parallel_loop3A_420 = arith.index_cast %parallel_loop3A_345 : i32 to index
        %parallel_loop3A_421 = arith.constant 64 : index
        %parallel_loop3A_422 = tpu.vector_load %arg10[%parallel_loop3A_419, %parallel_loop3A_420, %parallel_loop3A_421] {strides = array<i32>} : memref<4x200x128xf32, #tpu.memory_space<vmem>>, vector<1x1x16xf32>,
        %parallel_loop3A_423 = vector.shape_cast %parallel_loop3A_422 : vector<1x1x16xf32> to vector<16xf32>
        %parallel_loop3A_424 = arith.index_cast %parallel_loop3A_345 : i32 to index
        %parallel_loop3A_425 = arith.constant 64 : index
        %parallel_loop3A_426 = tpu.vector_load %arg11[%parallel_loop3A_424, %parallel_loop3A_425] {strides = array<i32>} : memref<200x128xf32, #tpu.memory_space<vmem>>, vector<1x16xf32>,
        %parallel_loop3A_427 = vector.shape_cast %parallel_loop3A_426 : vector<1x16xf32> to vector<16xf32>
        %parallel_loop3A_428 = arith.addf %parallel_loop3A_423, %parallel_loop3A_427 : vector<16xf32>
        %parallel_loop3A_429 = arith.constant 2 : i32
        %parallel_loop3A_430 = arith.index_cast %parallel_loop3A_429 : i32 to index
        %parallel_loop3A_431 = arith.index_cast %parallel_loop3A_345 : i32 to index
        %parallel_loop3A_432 = arith.constant 64 : index
        %parallel_loop3A_433 = tpu.vector_load %arg10[%parallel_loop3A_430, %parallel_loop3A_431, %parallel_loop3A_432] {strides = array<i32>} : memref<4x200x128xf32, #tpu.memory_space<vmem>>, vector<1x1x16xf32>,
        %parallel_loop3A_434 = vector.shape_cast %parallel_loop3A_433 : vector<1x1x16xf32> to vector<16xf32>
        %parallel_loop3A_435 = vector.shape_cast %parallel_loop3A_428 : vector<16xf32> to vector<1x1x16xf32>
        tpu.vector_store %arg10[%parallel_loop3A_430, %parallel_loop3A_431, %parallel_loop3A_432], %parallel_loop3A_435 {strides = array<i32>} : memref<4x200x128xf32, #tpu.memory_space<vmem>>, vector<1x1x16xf32>,
        %parallel_loop3A_436 = arith.constant 2 : i32
        %parallel_loop3A_437 = arith.index_cast %parallel_loop3A_436 : i32 to index
        %parallel_loop3A_438 = arith.index_cast %parallel_loop3A_345 : i32 to index
        %parallel_loop3A_439 = arith.constant 80 : index
        %parallel_loop3A_440 = tpu.vector_load %arg10[%parallel_loop3A_437, %parallel_loop3A_438, %parallel_loop3A_439] {strides = array<i32>} : memref<4x200x128xf32, #tpu.memory_space<vmem>>, vector<1x1x16xf32>,
        %parallel_loop3A_441 = vector.shape_cast %parallel_loop3A_440 : vector<1x1x16xf32> to vector<16xf32>
        %parallel_loop3A_442 = arith.index_cast %parallel_loop3A_345 : i32 to index
        %parallel_loop3A_443 = arith.constant 80 : index
        %parallel_loop3A_444 = tpu.vector_load %arg11[%parallel_loop3A_442, %parallel_loop3A_443] {strides = array<i32>} : memref<200x128xf32, #tpu.memory_space<vmem>>, vector<1x16xf32>,
        %parallel_loop3A_445 = vector.shape_cast %parallel_loop3A_444 : vector<1x16xf32> to vector<16xf32>
        %parallel_loop3A_446 = arith.addf %parallel_loop3A_441, %parallel_loop3A_445 : vector<16xf32>
        %parallel_loop3A_447 = arith.constant 2 : i32
        %parallel_loop3A_448 = arith.index_cast %parallel_loop3A_447 : i32 to index
        %parallel_loop3A_449 = arith.index_cast %parallel_loop3A_345 : i32 to index
        %parallel_loop3A_450 = arith.constant 80 : index
        %parallel_loop3A_451 = tpu.vector_load %arg10[%parallel_loop3A_448, %parallel_loop3A_449, %parallel_loop3A_450] {strides = array<i32>} : memref<4x200x128xf32, #tpu.memory_space<vmem>>, vector<1x1x16xf32>,
        %parallel_loop3A_452 = vector.shape_cast %parallel_loop3A_451 : vector<1x1x16xf32> to vector<16xf32>
        %parallel_loop3A_453 = vector.shape_cast %parallel_loop3A_446 : vector<16xf32> to vector<1x1x16xf32>
        tpu.vector_store %arg10[%parallel_loop3A_448, %parallel_loop3A_449, %parallel_loop3A_450], %parallel_loop3A_453 {strides = array<i32>} : memref<4x200x128xf32, #tpu.memory_space<vmem>>, vector<1x1x16xf32>,
        %parallel_loop3A_454 = arith.constant 2 : i32
        %parallel_loop3A_455 = arith.index_cast %parallel_loop3A_454 : i32 to index
        %parallel_loop3A_456 = arith.index_cast %parallel_loop3A_345 : i32 to index
        %parallel_loop3A_457 = arith.constant 96 : index
        %parallel_loop3A_458 = tpu.vector_load %arg10[%parallel_loop3A_455, %parallel_loop3A_456, %parallel_loop3A_457] {strides = array<i32>} : memref<4x200x128xf32, #tpu.memory_space<vmem>>, vector<1x1x16xf32>,
        %parallel_loop3A_459 = vector.shape_cast %parallel_loop3A_458 : vector<1x1x16xf32> to vector<16xf32>
        %parallel_loop3A_460 = arith.index_cast %parallel_loop3A_345 : i32 to index
        %parallel_loop3A_461 = arith.constant 96 : index
        %parallel_loop3A_462 = tpu.vector_load %arg11[%parallel_loop3A_460, %parallel_loop3A_461] {strides = array<i32>} : memref<200x128xf32, #tpu.memory_space<vmem>>, vector<1x16xf32>,
        %parallel_loop3A_463 = vector.shape_cast %parallel_loop3A_462 : vector<1x16xf32> to vector<16xf32>
        %parallel_loop3A_464 = arith.addf %parallel_loop3A_459, %parallel_loop3A_463 : vector<16xf32>
        %parallel_loop3A_465 = arith.constant 2 : i32
        %parallel_loop3A_466 = arith.index_cast %parallel_loop3A_465 : i32 to index
        %parallel_loop3A_467 = arith.index_cast %parallel_loop3A_345 : i32 to index
        %parallel_loop3A_468 = arith.constant 96 : index
        %parallel_loop3A_469 = tpu.vector_load %arg10[%parallel_loop3A_466, %parallel_loop3A_467, %parallel_loop3A_468] {strides = array<i32>} : memref<4x200x128xf32, #tpu.memory_space<vmem>>, vector<1x1x16xf32>,
        %parallel_loop3A_470 = vector.shape_cast %parallel_loop3A_469 : vector<1x1x16xf32> to vector<16xf32>
        %parallel_loop3A_471 = vector.shape_cast %parallel_loop3A_464 : vector<16xf32> to vector<1x1x16xf32>
        tpu.vector_store %arg10[%parallel_loop3A_466, %parallel_loop3A_467, %parallel_loop3A_468], %parallel_loop3A_471 {strides = array<i32>} : memref<4x200x128xf32, #tpu.memory_space<vmem>>, vector<1x1x16xf32>,
        %parallel_loop3A_472 = arith.constant 2 : i32
        %parallel_loop3A_473 = arith.index_cast %parallel_loop3A_472 : i32 to index
        %parallel_loop3A_474 = arith.index_cast %parallel_loop3A_345 : i32 to index
        %parallel_loop3A_475 = arith.constant 112 : index
        %parallel_loop3A_476 = tpu.vector_load %arg10[%parallel_loop3A_473, %parallel_loop3A_474, %parallel_loop3A_475] {strides = array<i32>} : memref<4x200x128xf32, #tpu.memory_space<vmem>>, vector<1x1x16xf32>,
        %parallel_loop3A_477 = vector.shape_cast %parallel_loop3A_476 : vector<1x1x16xf32> to vector<16xf32>
        %parallel_loop3A_478 = arith.index_cast %parallel_loop3A_345 : i32 to index
        %parallel_loop3A_479 = arith.constant 112 : index
        %parallel_loop3A_480 = tpu.vector_load %arg11[%parallel_loop3A_478, %parallel_loop3A_479] {strides = array<i32>} : memref<200x128xf32, #tpu.memory_space<vmem>>, vector<1x16xf32>,
        %parallel_loop3A_481 = vector.shape_cast %parallel_loop3A_480 : vector<1x16xf32> to vector<16xf32>
        %parallel_loop3A_482 = arith.addf %parallel_loop3A_477, %parallel_loop3A_481 : vector<16xf32>
        %parallel_loop3A_483 = arith.constant 2 : i32
        %parallel_loop3A_484 = arith.index_cast %parallel_loop3A_483 : i32 to index
        %parallel_loop3A_485 = arith.index_cast %parallel_loop3A_345 : i32 to index
        %parallel_loop3A_486 = arith.constant 112 : index
        %parallel_loop3A_487 = tpu.vector_load %arg10[%parallel_loop3A_484, %parallel_loop3A_485, %parallel_loop3A_486] {strides = array<i32>} : memref<4x200x128xf32, #tpu.memory_space<vmem>>, vector<1x1x16xf32>,
        %parallel_loop3A_488 = vector.shape_cast %parallel_loop3A_487 : vector<1x1x16xf32> to vector<16xf32>
        %parallel_loop3A_489 = vector.shape_cast %parallel_loop3A_482 : vector<16xf32> to vector<1x1x16xf32>
        tpu.vector_store %arg10[%parallel_loop3A_484, %parallel_loop3A_485, %parallel_loop3A_486], %parallel_loop3A_489 {strides = array<i32>} : memref<4x200x128xf32, #tpu.memory_space<vmem>>, vector<1x1x16xf32>,
      } {sc.loop_unroll_factor = 4 : i64, sc.parallel_access}
      %mul3A_274 = arith.constant 200 : i32
      %mul3A_275 = arith.muli %add3A_236, %mul3A_274 : i32
      %add3A_276 = arith.addi %mul3A_2, %mul3A_275 : i32
      %dma_start3A_277 = arith.constant 2 : i32
      %dma_start3A_278 = arith.constant 0 : i32
      %dma_start3A_279 = arith.constant 0 : i32
      %dma_start3A_280 = tpu.memref_slice %arg10[%dma_start3A_277, %dma_start3A_278, %dma_start3A_279] : memref<4x200x128xf32, #tpu.memory_space<vmem>> -> memref<1x200x128xf32, #tpu.memory_space<vmem>>
      %dma_start3A_281 = tpu.memref_squeeze %dma_start3A_280 : memref<1x200x128xf32, #tpu.memory_space<vmem>> -> memref<200x128xf32, #tpu.memory_space<vmem>>
      %dma_start3A_282 = arith.constant 0 : i32
      %dma_start3A_283 = tpu.memref_slice %arg5[%add3A_276, %dma_start3A_282] : memref<819200x128xf32, #tpu.memory_space<hbm>> -> memref<200x128xf32, #tpu.memory_space<hbm>>
      %dma_start3A_284 = arith.constant 0 : i32
      %dma_start3A_285 = tpu.memref_slice %arg5[%add3A_276, %dma_start3A_284] : memref<819200x128xf32, #tpu.memory_space<hbm>> -> memref<200x128xf32, #tpu.memory_space<hbm>>
      %dma_start3A_286 = arith.constant 0 : i32
      %dma_start3A_287 = arith.constant 0 : i32
      %dma_start3A_288 = tpu.memref_slice %arg10[%dma_start3A_277, %dma_start3A_286, %dma_start3A_287] : memref<4x200x128xf32, #tpu.memory_space<vmem>> -> memref<1x200x128xf32, #tpu.memory_space<vmem>>
      %dma_start3A_289 = tpu.memref_squeeze %dma_start3A_288 : memref<1x200x128xf32, #tpu.memory_space<vmem>> -> memref<200x128xf32, #tpu.memory_space<vmem>>
      tpu.enqueue_dma source(%dma_start3A_289 : memref<200x128xf32, #tpu.memory_space<vmem>>) target(%dma_start3A_285 : memref<200x128xf32, #tpu.memory_space<hbm>>) target_semaphore(%arg22 : memref<!tpu.dma_semaphore, #tpu.memory_space<semaphore_mem>>)
      %add3A_290 = arith.constant 3 : i32
      %add3A_291 = arith.addi %mul3A_128, %add3A_290 : i32
      %add3A_292 = arith.constant 2 : i32
      %add3A_293 = arith.addi %add3A_291, %add3A_292 : i32
      %lt3A_294 = arith.constant 128 : i32
      %lt3A_295 = arith.cmpi slt, %add3A_293, %lt3A_294 : i32
      %convert_element_type3A_296 = arith.extui %lt3A_295 : i1 to i32
      %cond3A_297 = arith.constant 0 : i32
      %cond3A_298 = arith.cmpi ne, %convert_element_type3A_296, %cond3A_297 : i32
      scf.if %cond3A_298 {
        %ge3A = arith.constant 2 : i32
        %ge3A_345 = arith.cmpi sge, %add3A_291, %ge3A : i32
        %convert_element_type3A_346 = arith.extui %ge3A_345 : i1 to i32
        %cond3A_347 = arith.constant 0 : i32
        %cond3A_348 = arith.cmpi ne, %convert_element_type3A_346, %cond3A_347 : i32
        scf.if %cond3A_348 {
          %sub3A = arith.constant 4 : i32
          %sub3A_374 = arith.subi %add3A_293, %sub3A : i32
          %mul3A_375 = arith.constant 200 : i32
          %mul3A_376 = arith.muli %sub3A_374, %mul3A_375 : i32
          %add3A_377 = arith.addi %mul3A_2, %mul3A_376 : i32
          %dma_wait3A_378 = arith.constant 1 : i32
          %dma_wait3A_379 = arith.constant 0 : i32
          %dma_wait3A_380 = arith.constant 0 : i32
          %dma_wait3A_381 = tpu.memref_slice %arg10[%dma_wait3A_378, %dma_wait3A_379, %dma_wait3A_380] : memref<4x200x128xf32, #tpu.memory_space<vmem>> -> memref<1x200x128xf32, #tpu.memory_space<vmem>>
          %dma_wait3A_382 = tpu.memref_squeeze %dma_wait3A_381 : memref<1x200x128xf32, #tpu.memory_space<vmem>> -> memref<200x128xf32, #tpu.memory_space<vmem>>
          %dma_wait3A_383 = arith.constant 0 : i32
          %dma_wait3A_384 = tpu.memref_slice %arg5[%add3A_377, %dma_wait3A_383] : memref<819200x128xf32, #tpu.memory_space<hbm>> -> memref<200x128xf32, #tpu.memory_space<hbm>>
          %dma_wait3A_385 = arith.constant 0 : i32
          %dma_wait3A_386 = tpu.memref_slice %arg5[%add3A_377, %dma_wait3A_385] : memref<819200x128xf32, #tpu.memory_space<hbm>> -> memref<200x128xf32, #tpu.memory_space<hbm>>
          %dma_wait3A_387 = arith.constant 0 : i32
          %dma_wait3A_388 = arith.constant 0 : i32
          %dma_wait3A_389 = tpu.memref_slice %arg10[%dma_wait3A_378, %dma_wait3A_387, %dma_wait3A_388] : memref<4x200x128xf32, #tpu.memory_space<vmem>> -> memref<1x200x128xf32, #tpu.memory_space<vmem>>
          %dma_wait3A_390 = tpu.memref_squeeze %dma_wait3A_389 : memref<1x200x128xf32, #tpu.memory_space<vmem>> -> memref<200x128xf32, #tpu.memory_space<vmem>>
          tpu.wait_dma2 semaphore(%arg21 : memref<!tpu.dma_semaphore, #tpu.memory_space<semaphore_mem>>) src(%dma_wait3A_390 : memref<200x128xf32, #tpu.memory_space<vmem>>) dst(%dma_wait3A_386 : memref<200x128xf32, #tpu.memory_space<hbm>>)
        } else {
        }
        %mul3A_349 = arith.constant 200 : i32
        %mul3A_350 = arith.muli %add3A_293, %mul3A_349 : i32
        %add3A_351 = arith.addi %mul3A_2, %mul3A_350 : i32
        %dma_wait3A_352 = tpu.memref_slice %arg2[%add3A_351] : memref<819200xi32, #tpu.memory_space<hbm>> -> memref<200xi32, #tpu.memory_space<hbm>>
        %dma_wait3A_353 = tpu.memref_slice %arg2[%add3A_351] : memref<819200xi32, #tpu.memory_space<hbm>> -> memref<200xi32, #tpu.memory_space<hbm>>
        tpu.wait_dma2 semaphore(%arg13 : memref<!tpu.dma_semaphore, #tpu.memory_space<semaphore_mem>>) src(%dma_wait3A_353 : memref<200xi32, #tpu.memory_space<hbm>>) dst(%arg7 : memref<200xi32, #tpu.memory_space<vmem>>)
        %dma_start3A_354 = arith.constant 1 : i32
        %dma_start3A_355 = arith.constant 0 : i32
        %dma_start3A_356 = arith.constant 0 : i32
        %dma_start3A_357 = tpu.memref_slice %arg10[%dma_start3A_354, %dma_start3A_355, %dma_start3A_356] : memref<4x200x128xf32, #tpu.memory_space<vmem>> -> memref<1x104x128xf32, #tpu.memory_space<vmem>>
        %dma_start3A_358 = tpu.memref_squeeze %dma_start3A_357 : memref<1x104x128xf32, #tpu.memory_space<vmem>> -> memref<104x128xf32, #tpu.memory_space<vmem>>
        %dma_start3A_359 = arith.constant 0 : i32
        %dma_start3A_360 = tpu.memref_slice %arg7[%dma_start3A_359] : memref<200xi32, #tpu.memory_space<vmem>> -> memref<104xi32, #tpu.memory_space<vmem>>
        %dma_start3A_361 = arith.constant 0 : i32
        %dma_start3A_362 = arith.constant 0 : i32
        %dma_start3A_363 = tpu.memref_slice %arg3[%dma_start3A_361, %dma_start3A_362] : memref<100000x128xf32, #tpu.memory_space<hbm>> -> memref<100000x128xf32, #tpu.memory_space<hbm>>
        tpu.enqueue_indirect_dma source(%dma_start3A_363 : memref<100000x128xf32, #tpu.memory_space<hbm>>) target(%dma_start3A_358 : memref<104x128xf32, #tpu.memory_space<vmem>>) offsets(%dma_start3A_360 : memref<104xi32, #tpu.memory_space<vmem>>) semaphore(%arg17 : memref<!tpu.dma_semaphore, #tpu.memory_space<semaphore_mem>>)
        %dma_start3A_364 = arith.constant 1 : i32
        %dma_start3A_365 = arith.constant 104 : i32
        %dma_start3A_366 = arith.constant 0 : i32
        %dma_start3A_367 = tpu.memref_slice %arg10[%dma_start3A_364, %dma_start3A_365, %dma_start3A_366] : memref<4x200x128xf32, #tpu.memory_space<vmem>> -> memref<1x96x128xf32, #tpu.memory_space<vmem>>
        %dma_start3A_368 = tpu.memref_squeeze %dma_start3A_367 : memref<1x96x128xf32, #tpu.memory_space<vmem>> -> memref<96x128xf32, #tpu.memory_space<vmem>>
        %dma_start3A_369 = arith.constant 104 : i32
        %dma_start3A_370 = tpu.memref_slice %arg7[%dma_start3A_369] : memref<200xi32, #tpu.memory_space<vmem>> -> memref<96xi32, #tpu.memory_space<vmem>>
        %dma_start3A_371 = arith.constant 0 : i32
        %dma_start3A_372 = arith.constant 0 : i32
        %dma_start3A_373 = tpu.memref_slice %arg3[%dma_start3A_371, %dma_start3A_372] : memref<100000x128xf32, #tpu.memory_space<hbm>> -> memref<100000x128xf32, #tpu.memory_space<hbm>>
        tpu.enqueue_indirect_dma source(%dma_start3A_373 : memref<100000x128xf32, #tpu.memory_space<hbm>>) target(%dma_start3A_368 : memref<96x128xf32, #tpu.memory_space<vmem>>) offsets(%dma_start3A_370 : memref<96xi32, #tpu.memory_space<vmem>>) semaphore(%arg17 : memref<!tpu.dma_semaphore, #tpu.memory_space<semaphore_mem>>)
      } else {
      }
      %add3A_299 = arith.constant 1 : i32
      %add3A_300 = arith.addi %add3A_293, %add3A_299 : i32
      %lt3A_301 = arith.constant 128 : i32
      %lt3A_302 = arith.cmpi slt, %add3A_300, %lt3A_301 : i32
      %convert_element_type3A_303 = arith.extui %lt3A_302 : i1 to i32
      %cond3A_304 = arith.constant 0 : i32
      %cond3A_305 = arith.cmpi ne, %convert_element_type3A_303, %cond3A_304 : i32
      scf.if %cond3A_305 {
        %add3A_345 = arith.constant 1 : i32
        %add3A_346 = arith.addi %add3A_293, %add3A_345 : i32
        %mul3A_347 = arith.constant 200 : i32
        %mul3A_348 = arith.muli %add3A_346, %mul3A_347 : i32
        %add3A_349 = arith.addi %mul3A_2, %mul3A_348 : i32
        %dma_start3A_350 = tpu.memref_slice %arg2[%add3A_349] : memref<819200xi32, #tpu.memory_space<hbm>> -> memref<200xi32, #tpu.memory_space<hbm>>
        %dma_start3A_351 = tpu.memref_slice %arg2[%add3A_349] : memref<819200xi32, #tpu.memory_space<hbm>> -> memref<200xi32, #tpu.memory_space<hbm>>
        tpu.enqueue_dma source(%dma_start3A_351 : memref<200xi32, #tpu.memory_space<hbm>>) target(%arg8 : memref<200xi32, #tpu.memory_space<vmem>>) target_semaphore(%arg14 : memref<!tpu.dma_semaphore, #tpu.memory_space<semaphore_mem>>)
      } else {
      }
      %dma_wait3A_306 = arith.constant 3 : i32
      %dma_wait3A_307 = arith.constant 0 : i32
      %dma_wait3A_308 = arith.constant 0 : i32
      %dma_wait3A_309 = tpu.memref_slice %arg10[%dma_wait3A_306, %dma_wait3A_307, %dma_wait3A_308] : memref<4x200x128xf32, #tpu.memory_space<vmem>> -> memref<1x104x128xf32, #tpu.memory_space<vmem>>
      %dma_wait3A_310 = tpu.memref_squeeze %dma_wait3A_309 : memref<1x104x128xf32, #tpu.memory_space<vmem>> -> memref<104x128xf32, #tpu.memory_space<vmem>>
      %dma_wait3A_311 = arith.constant 0 : i32
      %dma_wait3A_312 = tpu.memref_slice %arg9[%dma_wait3A_311] : memref<200xi32, #tpu.memory_space<vmem>> -> memref<104xi32, #tpu.memory_space<vmem>>
      %dma_wait3A_313 = arith.constant 0 : i32
      %dma_wait3A_314 = arith.constant 0 : i32
      %dma_wait3A_315 = tpu.memref_slice %arg3[%dma_wait3A_313, %dma_wait3A_314] : memref<100000x128xf32, #tpu.memory_space<hbm>> -> memref<100000x128xf32, #tpu.memory_space<hbm>>
      tpu.wait_indirect_dma semaphore(%arg19 : memref<!tpu.dma_semaphore, #tpu.memory_space<semaphore_mem>>) src(%dma_wait3A_315 : memref<100000x128xf32, #tpu.memory_space<hbm>>) dst(%dma_wait3A_310 : memref<104x128xf32, #tpu.memory_space<vmem>>)
      %dma_wait3A_316 = arith.constant 3 : i32
      %dma_wait3A_317 = arith.constant 104 : i32
      %dma_wait3A_318 = arith.constant 0 : i32
      %dma_wait3A_319 = tpu.memref_slice %arg10[%dma_wait3A_316, %dma_wait3A_317, %dma_wait3A_318] : memref<4x200x128xf32, #tpu.memory_space<vmem>> -> memref<1x96x128xf32, #tpu.memory_space<vmem>>
      %dma_wait3A_320 = tpu.memref_squeeze %dma_wait3A_319 : memref<1x96x128xf32, #tpu.memory_space<vmem>> -> memref<96x128xf32, #tpu.memory_space<vmem>>
      %dma_wait3A_321 = arith.constant 104 : i32
      %dma_wait3A_322 = tpu.memref_slice %arg9[%dma_wait3A_321] : memref<200xi32, #tpu.memory_space<vmem>> -> memref<96xi32, #tpu.memory_space<vmem>>
      %dma_wait3A_323 = arith.constant 0 : i32
      %dma_wait3A_324 = arith.constant 0 : i32
      %dma_wait3A_325 = tpu.memref_slice %arg3[%dma_wait3A_323, %dma_wait3A_324] : memref<100000x128xf32, #tpu.memory_space<hbm>> -> memref<100000x128xf32, #tpu.memory_space<hbm>>
      tpu.wait_indirect_dma semaphore(%arg19 : memref<!tpu.dma_semaphore, #tpu.memory_space<semaphore_mem>>) src(%dma_wait3A_325 : memref<100000x128xf32, #tpu.memory_space<hbm>>) dst(%dma_wait3A_320 : memref<96x128xf32, #tpu.memory_space<vmem>>)
      %parallel_loop3A_326 = arith.constant 0 : i32
      %parallel_loop3A_327 = arith.constant 200 : i32
      %parallel_loop3A_328 = arith.constant 1 : i32
      scf.for %parallel_loop3A_345 = %parallel_loop3A_326 to %parallel_loop3A_327 step %parallel_loop3A_328  : i32 {
        %parallel_loop3A_346 = arith.constant 3 : i32
        %parallel_loop3A_347 = arith.index_cast %parallel_loop3A_346 : i32 to index
        %parallel_loop3A_348 = arith.index_cast %parallel_loop3A_345 : i32 to index
        %parallel_loop3A_349 = arith.constant 0 : index
        %parallel_loop3A_350 = tpu.vector_load %arg10[%parallel_loop3A_347, %parallel_loop3A_348, %parallel_loop3A_349] {strides = array<i32>} : memref<4x200x128xf32, #tpu.memory_space<vmem>>, vector<1x1x16xf32>,
        %parallel_loop3A_351 = vector.shape_cast %parallel_loop3A_350 : vector<1x1x16xf32> to vector<16xf32>
        %parallel_loop3A_352 = arith.index_cast %parallel_loop3A_345 : i32 to index
        %parallel_loop3A_353 = arith.constant 0 : index
        %parallel_loop3A_354 = tpu.vector_load %arg11[%parallel_loop3A_352, %parallel_loop3A_353] {strides = array<i32>} : memref<200x128xf32, #tpu.memory_space<vmem>>, vector<1x16xf32>,
        %parallel_loop3A_355 = vector.shape_cast %parallel_loop3A_354 : vector<1x16xf32> to vector<16xf32>
        %parallel_loop3A_356 = arith.addf %parallel_loop3A_351, %parallel_loop3A_355 : vector<16xf32>
        %parallel_loop3A_357 = arith.constant 3 : i32
        %parallel_loop3A_358 = arith.index_cast %parallel_loop3A_357 : i32 to index
        %parallel_loop3A_359 = arith.index_cast %parallel_loop3A_345 : i32 to index
        %parallel_loop3A_360 = arith.constant 0 : index
        %parallel_loop3A_361 = tpu.vector_load %arg10[%parallel_loop3A_358, %parallel_loop3A_359, %parallel_loop3A_360] {strides = array<i32>} : memref<4x200x128xf32, #tpu.memory_space<vmem>>, vector<1x1x16xf32>,
        %parallel_loop3A_362 = vector.shape_cast %parallel_loop3A_361 : vector<1x1x16xf32> to vector<16xf32>
        %parallel_loop3A_363 = vector.shape_cast %parallel_loop3A_356 : vector<16xf32> to vector<1x1x16xf32>
        tpu.vector_store %arg10[%parallel_loop3A_358, %parallel_loop3A_359, %parallel_loop3A_360], %parallel_loop3A_363 {strides = array<i32>} : memref<4x200x128xf32, #tpu.memory_space<vmem>>, vector<1x1x16xf32>,
        %parallel_loop3A_364 = arith.constant 3 : i32
        %parallel_loop3A_365 = arith.index_cast %parallel_loop3A_364 : i32 to index
        %parallel_loop3A_366 = arith.index_cast %parallel_loop3A_345 : i32 to index
        %parallel_loop3A_367 = arith.constant 16 : index
        %parallel_loop3A_368 = tpu.vector_load %arg10[%parallel_loop3A_365, %parallel_loop3A_366, %parallel_loop3A_367] {strides = array<i32>} : memref<4x200x128xf32, #tpu.memory_space<vmem>>, vector<1x1x16xf32>,
        %parallel_loop3A_369 = vector.shape_cast %parallel_loop3A_368 : vector<1x1x16xf32> to vector<16xf32>
        %parallel_loop3A_370 = arith.index_cast %parallel_loop3A_345 : i32 to index
        %parallel_loop3A_371 = arith.constant 16 : index
        %parallel_loop3A_372 = tpu.vector_load %arg11[%parallel_loop3A_370, %parallel_loop3A_371] {strides = array<i32>} : memref<200x128xf32, #tpu.memory_space<vmem>>, vector<1x16xf32>,
        %parallel_loop3A_373 = vector.shape_cast %parallel_loop3A_372 : vector<1x16xf32> to vector<16xf32>
        %parallel_loop3A_374 = arith.addf %parallel_loop3A_369, %parallel_loop3A_373 : vector<16xf32>
        %parallel_loop3A_375 = arith.constant 3 : i32
        %parallel_loop3A_376 = arith.index_cast %parallel_loop3A_375 : i32 to index
        %parallel_loop3A_377 = arith.index_cast %parallel_loop3A_345 : i32 to index
        %parallel_loop3A_378 = arith.constant 16 : index
        %parallel_loop3A_379 = tpu.vector_load %arg10[%parallel_loop3A_376, %parallel_loop3A_377, %parallel_loop3A_378] {strides = array<i32>} : memref<4x200x128xf32, #tpu.memory_space<vmem>>, vector<1x1x16xf32>,
        %parallel_loop3A_380 = vector.shape_cast %parallel_loop3A_379 : vector<1x1x16xf32> to vector<16xf32>
        %parallel_loop3A_381 = vector.shape_cast %parallel_loop3A_374 : vector<16xf32> to vector<1x1x16xf32>
        tpu.vector_store %arg10[%parallel_loop3A_376, %parallel_loop3A_377, %parallel_loop3A_378], %parallel_loop3A_381 {strides = array<i32>} : memref<4x200x128xf32, #tpu.memory_space<vmem>>, vector<1x1x16xf32>,
        %parallel_loop3A_382 = arith.constant 3 : i32
        %parallel_loop3A_383 = arith.index_cast %parallel_loop3A_382 : i32 to index
        %parallel_loop3A_384 = arith.index_cast %parallel_loop3A_345 : i32 to index
        %parallel_loop3A_385 = arith.constant 32 : index
        %parallel_loop3A_386 = tpu.vector_load %arg10[%parallel_loop3A_383, %parallel_loop3A_384, %parallel_loop3A_385] {strides = array<i32>} : memref<4x200x128xf32, #tpu.memory_space<vmem>>, vector<1x1x16xf32>,
        %parallel_loop3A_387 = vector.shape_cast %parallel_loop3A_386 : vector<1x1x16xf32> to vector<16xf32>
        %parallel_loop3A_388 = arith.index_cast %parallel_loop3A_345 : i32 to index
        %parallel_loop3A_389 = arith.constant 32 : index
        %parallel_loop3A_390 = tpu.vector_load %arg11[%parallel_loop3A_388, %parallel_loop3A_389] {strides = array<i32>} : memref<200x128xf32, #tpu.memory_space<vmem>>, vector<1x16xf32>,
        %parallel_loop3A_391 = vector.shape_cast %parallel_loop3A_390 : vector<1x16xf32> to vector<16xf32>
        %parallel_loop3A_392 = arith.addf %parallel_loop3A_387, %parallel_loop3A_391 : vector<16xf32>
        %parallel_loop3A_393 = arith.constant 3 : i32
        %parallel_loop3A_394 = arith.index_cast %parallel_loop3A_393 : i32 to index
        %parallel_loop3A_395 = arith.index_cast %parallel_loop3A_345 : i32 to index
        %parallel_loop3A_396 = arith.constant 32 : index
        %parallel_loop3A_397 = tpu.vector_load %arg10[%parallel_loop3A_394, %parallel_loop3A_395, %parallel_loop3A_396] {strides = array<i32>} : memref<4x200x128xf32, #tpu.memory_space<vmem>>, vector<1x1x16xf32>,
        %parallel_loop3A_398 = vector.shape_cast %parallel_loop3A_397 : vector<1x1x16xf32> to vector<16xf32>
        %parallel_loop3A_399 = vector.shape_cast %parallel_loop3A_392 : vector<16xf32> to vector<1x1x16xf32>
        tpu.vector_store %arg10[%parallel_loop3A_394, %parallel_loop3A_395, %parallel_loop3A_396], %parallel_loop3A_399 {strides = array<i32>} : memref<4x200x128xf32, #tpu.memory_space<vmem>>, vector<1x1x16xf32>,
        %parallel_loop3A_400 = arith.constant 3 : i32
        %parallel_loop3A_401 = arith.index_cast %parallel_loop3A_400 : i32 to index
        %parallel_loop3A_402 = arith.index_cast %parallel_loop3A_345 : i32 to index
        %parallel_loop3A_403 = arith.constant 48 : index
        %parallel_loop3A_404 = tpu.vector_load %arg10[%parallel_loop3A_401, %parallel_loop3A_402, %parallel_loop3A_403] {strides = array<i32>} : memref<4x200x128xf32, #tpu.memory_space<vmem>>, vector<1x1x16xf32>,
        %parallel_loop3A_405 = vector.shape_cast %parallel_loop3A_404 : vector<1x1x16xf32> to vector<16xf32>
        %parallel_loop3A_406 = arith.index_cast %parallel_loop3A_345 : i32 to index
        %parallel_loop3A_407 = arith.constant 48 : index
        %parallel_loop3A_408 = tpu.vector_load %arg11[%parallel_loop3A_406, %parallel_loop3A_407] {strides = array<i32>} : memref<200x128xf32, #tpu.memory_space<vmem>>, vector<1x16xf32>,
        %parallel_loop3A_409 = vector.shape_cast %parallel_loop3A_408 : vector<1x16xf32> to vector<16xf32>
        %parallel_loop3A_410 = arith.addf %parallel_loop3A_405, %parallel_loop3A_409 : vector<16xf32>
        %parallel_loop3A_411 = arith.constant 3 : i32
        %parallel_loop3A_412 = arith.index_cast %parallel_loop3A_411 : i32 to index
        %parallel_loop3A_413 = arith.index_cast %parallel_loop3A_345 : i32 to index
        %parallel_loop3A_414 = arith.constant 48 : index
        %parallel_loop3A_415 = tpu.vector_load %arg10[%parallel_loop3A_412, %parallel_loop3A_413, %parallel_loop3A_414] {strides = array<i32>} : memref<4x200x128xf32, #tpu.memory_space<vmem>>, vector<1x1x16xf32>,
        %parallel_loop3A_416 = vector.shape_cast %parallel_loop3A_415 : vector<1x1x16xf32> to vector<16xf32>
        %parallel_loop3A_417 = vector.shape_cast %parallel_loop3A_410 : vector<16xf32> to vector<1x1x16xf32>
        tpu.vector_store %arg10[%parallel_loop3A_412, %parallel_loop3A_413, %parallel_loop3A_414], %parallel_loop3A_417 {strides = array<i32>} : memref<4x200x128xf32, #tpu.memory_space<vmem>>, vector<1x1x16xf32>,
        %parallel_loop3A_418 = arith.constant 3 : i32
        %parallel_loop3A_419 = arith.index_cast %parallel_loop3A_418 : i32 to index
        %parallel_loop3A_420 = arith.index_cast %parallel_loop3A_345 : i32 to index
        %parallel_loop3A_421 = arith.constant 64 : index
        %parallel_loop3A_422 = tpu.vector_load %arg10[%parallel_loop3A_419, %parallel_loop3A_420, %parallel_loop3A_421] {strides = array<i32>} : memref<4x200x128xf32, #tpu.memory_space<vmem>>, vector<1x1x16xf32>,
        %parallel_loop3A_423 = vector.shape_cast %parallel_loop3A_422 : vector<1x1x16xf32> to vector<16xf32>
        %parallel_loop3A_424 = arith.index_cast %parallel_loop3A_345 : i32 to index
        %parallel_loop3A_425 = arith.constant 64 : index
        %parallel_loop3A_426 = tpu.vector_load %arg11[%parallel_loop3A_424, %parallel_loop3A_425] {strides = array<i32>} : memref<200x128xf32, #tpu.memory_space<vmem>>, vector<1x16xf32>,
        %parallel_loop3A_427 = vector.shape_cast %parallel_loop3A_426 : vector<1x16xf32> to vector<16xf32>
        %parallel_loop3A_428 = arith.addf %parallel_loop3A_423, %parallel_loop3A_427 : vector<16xf32>
        %parallel_loop3A_429 = arith.constant 3 : i32
        %parallel_loop3A_430 = arith.index_cast %parallel_loop3A_429 : i32 to index
        %parallel_loop3A_431 = arith.index_cast %parallel_loop3A_345 : i32 to index
        %parallel_loop3A_432 = arith.constant 64 : index
        %parallel_loop3A_433 = tpu.vector_load %arg10[%parallel_loop3A_430, %parallel_loop3A_431, %parallel_loop3A_432] {strides = array<i32>} : memref<4x200x128xf32, #tpu.memory_space<vmem>>, vector<1x1x16xf32>,
        %parallel_loop3A_434 = vector.shape_cast %parallel_loop3A_433 : vector<1x1x16xf32> to vector<16xf32>
        %parallel_loop3A_435 = vector.shape_cast %parallel_loop3A_428 : vector<16xf32> to vector<1x1x16xf32>
        tpu.vector_store %arg10[%parallel_loop3A_430, %parallel_loop3A_431, %parallel_loop3A_432], %parallel_loop3A_435 {strides = array<i32>} : memref<4x200x128xf32, #tpu.memory_space<vmem>>, vector<1x1x16xf32>,
        %parallel_loop3A_436 = arith.constant 3 : i32
        %parallel_loop3A_437 = arith.index_cast %parallel_loop3A_436 : i32 to index
        %parallel_loop3A_438 = arith.index_cast %parallel_loop3A_345 : i32 to index
        %parallel_loop3A_439 = arith.constant 80 : index
        %parallel_loop3A_440 = tpu.vector_load %arg10[%parallel_loop3A_437, %parallel_loop3A_438, %parallel_loop3A_439] {strides = array<i32>} : memref<4x200x128xf32, #tpu.memory_space<vmem>>, vector<1x1x16xf32>,
        %parallel_loop3A_441 = vector.shape_cast %parallel_loop3A_440 : vector<1x1x16xf32> to vector<16xf32>
        %parallel_loop3A_442 = arith.index_cast %parallel_loop3A_345 : i32 to index
        %parallel_loop3A_443 = arith.constant 80 : index
        %parallel_loop3A_444 = tpu.vector_load %arg11[%parallel_loop3A_442, %parallel_loop3A_443] {strides = array<i32>} : memref<200x128xf32, #tpu.memory_space<vmem>>, vector<1x16xf32>,
        %parallel_loop3A_445 = vector.shape_cast %parallel_loop3A_444 : vector<1x16xf32> to vector<16xf32>
        %parallel_loop3A_446 = arith.addf %parallel_loop3A_441, %parallel_loop3A_445 : vector<16xf32>
        %parallel_loop3A_447 = arith.constant 3 : i32
        %parallel_loop3A_448 = arith.index_cast %parallel_loop3A_447 : i32 to index
        %parallel_loop3A_449 = arith.index_cast %parallel_loop3A_345 : i32 to index
        %parallel_loop3A_450 = arith.constant 80 : index
        %parallel_loop3A_451 = tpu.vector_load %arg10[%parallel_loop3A_448, %parallel_loop3A_449, %parallel_loop3A_450] {strides = array<i32>} : memref<4x200x128xf32, #tpu.memory_space<vmem>>, vector<1x1x16xf32>,
        %parallel_loop3A_452 = vector.shape_cast %parallel_loop3A_451 : vector<1x1x16xf32> to vector<16xf32>
        %parallel_loop3A_453 = vector.shape_cast %parallel_loop3A_446 : vector<16xf32> to vector<1x1x16xf32>
        tpu.vector_store %arg10[%parallel_loop3A_448, %parallel_loop3A_449, %parallel_loop3A_450], %parallel_loop3A_453 {strides = array<i32>} : memref<4x200x128xf32, #tpu.memory_space<vmem>>, vector<1x1x16xf32>,
        %parallel_loop3A_454 = arith.constant 3 : i32
        %parallel_loop3A_455 = arith.index_cast %parallel_loop3A_454 : i32 to index
        %parallel_loop3A_456 = arith.index_cast %parallel_loop3A_345 : i32 to index
        %parallel_loop3A_457 = arith.constant 96 : index
        %parallel_loop3A_458 = tpu.vector_load %arg10[%parallel_loop3A_455, %parallel_loop3A_456, %parallel_loop3A_457] {strides = array<i32>} : memref<4x200x128xf32, #tpu.memory_space<vmem>>, vector<1x1x16xf32>,
        %parallel_loop3A_459 = vector.shape_cast %parallel_loop3A_458 : vector<1x1x16xf32> to vector<16xf32>
        %parallel_loop3A_460 = arith.index_cast %parallel_loop3A_345 : i32 to index
        %parallel_loop3A_461 = arith.constant 96 : index
        %parallel_loop3A_462 = tpu.vector_load %arg11[%parallel_loop3A_460, %parallel_loop3A_461] {strides = array<i32>} : memref<200x128xf32, #tpu.memory_space<vmem>>, vector<1x16xf32>,
        %parallel_loop3A_463 = vector.shape_cast %parallel_loop3A_462 : vector<1x16xf32> to vector<16xf32>
        %parallel_loop3A_464 = arith.addf %parallel_loop3A_459, %parallel_loop3A_463 : vector<16xf32>
        %parallel_loop3A_465 = arith.constant 3 : i32
        %parallel_loop3A_466 = arith.index_cast %parallel_loop3A_465 : i32 to index
        %parallel_loop3A_467 = arith.index_cast %parallel_loop3A_345 : i32 to index
        %parallel_loop3A_468 = arith.constant 96 : index
        %parallel_loop3A_469 = tpu.vector_load %arg10[%parallel_loop3A_466, %parallel_loop3A_467, %parallel_loop3A_468] {strides = array<i32>} : memref<4x200x128xf32, #tpu.memory_space<vmem>>, vector<1x1x16xf32>,
        %parallel_loop3A_470 = vector.shape_cast %parallel_loop3A_469 : vector<1x1x16xf32> to vector<16xf32>
        %parallel_loop3A_471 = vector.shape_cast %parallel_loop3A_464 : vector<16xf32> to vector<1x1x16xf32>
        tpu.vector_store %arg10[%parallel_loop3A_466, %parallel_loop3A_467, %parallel_loop3A_468], %parallel_loop3A_471 {strides = array<i32>} : memref<4x200x128xf32, #tpu.memory_space<vmem>>, vector<1x1x16xf32>,
        %parallel_loop3A_472 = arith.constant 3 : i32
        %parallel_loop3A_473 = arith.index_cast %parallel_loop3A_472 : i32 to index
        %parallel_loop3A_474 = arith.index_cast %parallel_loop3A_345 : i32 to index
        %parallel_loop3A_475 = arith.constant 112 : index
        %parallel_loop3A_476 = tpu.vector_load %arg10[%parallel_loop3A_473, %parallel_loop3A_474, %parallel_loop3A_475] {strides = array<i32>} : memref<4x200x128xf32, #tpu.memory_space<vmem>>, vector<1x1x16xf32>,
        %parallel_loop3A_477 = vector.shape_cast %parallel_loop3A_476 : vector<1x1x16xf32> to vector<16xf32>
        %parallel_loop3A_478 = arith.index_cast %parallel_loop3A_345 : i32 to index
        %parallel_loop3A_479 = arith.constant 112 : index
        %parallel_loop3A_480 = tpu.vector_load %arg11[%parallel_loop3A_478, %parallel_loop3A_479] {strides = array<i32>} : memref<200x128xf32, #tpu.memory_space<vmem>>, vector<1x16xf32>,
        %parallel_loop3A_481 = vector.shape_cast %parallel_loop3A_480 : vector<1x16xf32> to vector<16xf32>
        %parallel_loop3A_482 = arith.addf %parallel_loop3A_477, %parallel_loop3A_481 : vector<16xf32>
        %parallel_loop3A_483 = arith.constant 3 : i32
        %parallel_loop3A_484 = arith.index_cast %parallel_loop3A_483 : i32 to index
        %parallel_loop3A_485 = arith.index_cast %parallel_loop3A_345 : i32 to index
        %parallel_loop3A_486 = arith.constant 112 : index
        %parallel_loop3A_487 = tpu.vector_load %arg10[%parallel_loop3A_484, %parallel_loop3A_485, %parallel_loop3A_486] {strides = array<i32>} : memref<4x200x128xf32, #tpu.memory_space<vmem>>, vector<1x1x16xf32>,
        %parallel_loop3A_488 = vector.shape_cast %parallel_loop3A_487 : vector<1x1x16xf32> to vector<16xf32>
        %parallel_loop3A_489 = vector.shape_cast %parallel_loop3A_482 : vector<16xf32> to vector<1x1x16xf32>
        tpu.vector_store %arg10[%parallel_loop3A_484, %parallel_loop3A_485, %parallel_loop3A_486], %parallel_loop3A_489 {strides = array<i32>} : memref<4x200x128xf32, #tpu.memory_space<vmem>>, vector<1x1x16xf32>,
      } {sc.loop_unroll_factor = 4 : i64, sc.parallel_access}
      %mul3A_329 = arith.constant 200 : i32
      %mul3A_330 = arith.muli %add3A_291, %mul3A_329 : i32
      %add3A_331 = arith.addi %mul3A_2, %mul3A_330 : i32
      %dma_start3A_332 = arith.constant 3 : i32
      %dma_start3A_333 = arith.constant 0 : i32
      %dma_start3A_334 = arith.constant 0 : i32
      %dma_start3A_335 = tpu.memref_slice %arg10[%dma_start3A_332, %dma_start3A_333, %dma_start3A_334] : memref<4x200x128xf32, #tpu.memory_space<vmem>> -> memref<1x200x128xf32, #tpu.memory_space<vmem>>
      %dma_start3A_336 = tpu.memref_squeeze %dma_start3A_335 : memref<1x200x128xf32, #tpu.memory_space<vmem>> -> memref<200x128xf32, #tpu.memory_space<vmem>>
      %dma_start3A_337 = arith.constant 0 : i32
      %dma_start3A_338 = tpu.memref_slice %arg5[%add3A_331, %dma_start3A_337] : memref<819200x128xf32, #tpu.memory_space<hbm>> -> memref<200x128xf32, #tpu.memory_space<hbm>>
      %dma_start3A_339 = arith.constant 0 : i32
      %dma_start3A_340 = tpu.memref_slice %arg5[%add3A_331, %dma_start3A_339] : memref<819200x128xf32, #tpu.memory_space<hbm>> -> memref<200x128xf32, #tpu.memory_space<hbm>>
      %dma_start3A_341 = arith.constant 0 : i32
      %dma_start3A_342 = arith.constant 0 : i32
      %dma_start3A_343 = tpu.memref_slice %arg10[%dma_start3A_332, %dma_start3A_341, %dma_start3A_342] : memref<4x200x128xf32, #tpu.memory_space<vmem>> -> memref<1x200x128xf32, #tpu.memory_space<vmem>>
      %dma_start3A_344 = tpu.memref_squeeze %dma_start3A_343 : memref<1x200x128xf32, #tpu.memory_space<vmem>> -> memref<200x128xf32, #tpu.memory_space<vmem>>
      tpu.enqueue_dma source(%dma_start3A_344 : memref<200x128xf32, #tpu.memory_space<vmem>>) target(%dma_start3A_340 : memref<200x128xf32, #tpu.memory_space<hbm>>) target_semaphore(%arg23 : memref<!tpu.dma_semaphore, #tpu.memory_space<semaphore_mem>>)
    }
    %scan3A_65 = arith.constant 32 : i32
    %add3A_66 = arith.constant 24800 : i32
    %add3A_67 = arith.addi %mul3A_2, %add3A_66 : i32
    %dma_wait3A_68 = arith.constant 0 : i32
    %dma_wait3A_69 = arith.constant 0 : i32
    %dma_wait3A_70 = arith.constant 0 : i32
    %dma_wait3A_71 = tpu.memref_slice %arg10[%dma_wait3A_68, %dma_wait3A_69, %dma_wait3A_70] : memref<4x200x128xf32, #tpu.memory_space<vmem>> -> memref<1x200x128xf32, #tpu.memory_space<vmem>>
    %dma_wait3A_72 = tpu.memref_squeeze %dma_wait3A_71 : memref<1x200x128xf32, #tpu.memory_space<vmem>> -> memref<200x128xf32, #tpu.memory_space<vmem>>
    %dma_wait3A_73 = arith.constant 0 : i32
    %dma_wait3A_74 = tpu.memref_slice %arg5[%add3A_67, %dma_wait3A_73] : memref<819200x128xf32, #tpu.memory_space<hbm>> -> memref<200x128xf32, #tpu.memory_space<hbm>>
    %dma_wait3A_75 = arith.constant 0 : i32
    %dma_wait3A_76 = tpu.memref_slice %arg5[%add3A_67, %dma_wait3A_75] : memref<819200x128xf32, #tpu.memory_space<hbm>> -> memref<200x128xf32, #tpu.memory_space<hbm>>
    %dma_wait3A_77 = arith.constant 0 : i32
    %dma_wait3A_78 = arith.constant 0 : i32
    %dma_wait3A_79 = tpu.memref_slice %arg10[%dma_wait3A_68, %dma_wait3A_77, %dma_wait3A_78] : memref<4x200x128xf32, #tpu.memory_space<vmem>> -> memref<1x200x128xf32, #tpu.memory_space<vmem>>
    %dma_wait3A_80 = tpu.memref_squeeze %dma_wait3A_79 : memref<1x200x128xf32, #tpu.memory_space<vmem>> -> memref<200x128xf32, #tpu.memory_space<vmem>>
    tpu.wait_dma2 semaphore(%arg20 : memref<!tpu.dma_semaphore, #tpu.memory_space<semaphore_mem>>) src(%dma_wait3A_80 : memref<200x128xf32, #tpu.memory_space<vmem>>) dst(%dma_wait3A_76 : memref<200x128xf32, #tpu.memory_space<hbm>>)
    %add3A_81 = arith.constant 25000 : i32
    %add3A_82 = arith.addi %mul3A_2, %add3A_81 : i32
    %dma_wait3A_83 = arith.constant 1 : i32
    %dma_wait3A_84 = arith.constant 0 : i32
    %dma_wait3A_85 = arith.constant 0 : i32
    %dma_wait3A_86 = tpu.memref_slice %arg10[%dma_wait3A_83, %dma_wait3A_84, %dma_wait3A_85] : memref<4x200x128xf32, #tpu.memory_space<vmem>> -> memref<1x200x128xf32, #tpu.memory_space<vmem>>
    %dma_wait3A_87 = tpu.memref_squeeze %dma_wait3A_86 : memref<1x200x128xf32, #tpu.memory_space<vmem>> -> memref<200x128xf32, #tpu.memory_space<vmem>>
    %dma_wait3A_88 = arith.constant 0 : i32
    %dma_wait3A_89 = tpu.memref_slice %arg5[%add3A_82, %dma_wait3A_88] : memref<819200x128xf32, #tpu.memory_space<hbm>> -> memref<200x128xf32, #tpu.memory_space<hbm>>
    %dma_wait3A_90 = arith.constant 0 : i32
    %dma_wait3A_91 = tpu.memref_slice %arg5[%add3A_82, %dma_wait3A_90] : memref<819200x128xf32, #tpu.memory_space<hbm>> -> memref<200x128xf32, #tpu.memory_space<hbm>>
    %dma_wait3A_92 = arith.constant 0 : i32
    %dma_wait3A_93 = arith.constant 0 : i32
    %dma_wait3A_94 = tpu.memref_slice %arg10[%dma_wait3A_83, %dma_wait3A_92, %dma_wait3A_93] : memref<4x200x128xf32, #tpu.memory_space<vmem>> -> memref<1x200x128xf32, #tpu.memory_space<vmem>>
    %dma_wait3A_95 = tpu.memref_squeeze %dma_wait3A_94 : memref<1x200x128xf32, #tpu.memory_space<vmem>> -> memref<200x128xf32, #tpu.memory_space<vmem>>
    tpu.wait_dma2 semaphore(%arg21 : memref<!tpu.dma_semaphore, #tpu.memory_space<semaphore_mem>>) src(%dma_wait3A_95 : memref<200x128xf32, #tpu.memory_space<vmem>>) dst(%dma_wait3A_91 : memref<200x128xf32, #tpu.memory_space<hbm>>)
    %add3A_96 = arith.constant 25200 : i32
    %add3A_97 = arith.addi %mul3A_2, %add3A_96 : i32
    %dma_wait3A_98 = arith.constant 2 : i32
    %dma_wait3A_99 = arith.constant 0 : i32
    %dma_wait3A_100 = arith.constant 0 : i32
    %dma_wait3A_101 = tpu.memref_slice %arg10[%dma_wait3A_98, %dma_wait3A_99, %dma_wait3A_100] : memref<4x200x128xf32, #tpu.memory_space<vmem>> -> memref<1x200x128xf32, #tpu.memory_space<vmem>>
    %dma_wait3A_102 = tpu.memref_squeeze %dma_wait3A_101 : memref<1x200x128xf32, #tpu.memory_space<vmem>> -> memref<200x128xf32, #tpu.memory_space<vmem>>
    %dma_wait3A_103 = arith.constant 0 : i32
    %dma_wait3A_104 = tpu.memref_slice %arg5[%add3A_97, %dma_wait3A_103] : memref<819200x128xf32, #tpu.memory_space<hbm>> -> memref<200x128xf32, #tpu.memory_space<hbm>>
    %dma_wait3A_105 = arith.constant 0 : i32
    %dma_wait3A_106 = tpu.memref_slice %arg5[%add3A_97, %dma_wait3A_105] : memref<819200x128xf32, #tpu.memory_space<hbm>> -> memref<200x128xf32, #tpu.memory_space<hbm>>
    %dma_wait3A_107 = arith.constant 0 : i32
    %dma_wait3A_108 = arith.constant 0 : i32
    %dma_wait3A_109 = tpu.memref_slice %arg10[%dma_wait3A_98, %dma_wait3A_107, %dma_wait3A_108] : memref<4x200x128xf32, #tpu.memory_space<vmem>> -> memref<1x200x128xf32, #tpu.memory_space<vmem>>
    %dma_wait3A_110 = tpu.memref_squeeze %dma_wait3A_109 : memref<1x200x128xf32, #tpu.memory_space<vmem>> -> memref<200x128xf32, #tpu.memory_space<vmem>>
    tpu.wait_dma2 semaphore(%arg22 : memref<!tpu.dma_semaphore, #tpu.memory_space<semaphore_mem>>) src(%dma_wait3A_110 : memref<200x128xf32, #tpu.memory_space<vmem>>) dst(%dma_wait3A_106 : memref<200x128xf32, #tpu.memory_space<hbm>>)
    %add3A_111 = arith.constant 25400 : i32
    %add3A_112 = arith.addi %mul3A_2, %add3A_111 : i32
    %dma_wait3A_113 = arith.constant 3 : i32
    %dma_wait3A_114 = arith.constant 0 : i32
    %dma_wait3A_115 = arith.constant 0 : i32
    %dma_wait3A_116 = tpu.memref_slice %arg10[%dma_wait3A_113, %dma_wait3A_114, %dma_wait3A_115] : memref<4x200x128xf32, #tpu.memory_space<vmem>> -> memref<1x200x128xf32, #tpu.memory_space<vmem>>
    %dma_wait3A_117 = tpu.memref_squeeze %dma_wait3A_116 : memref<1x200x128xf32, #tpu.memory_space<vmem>> -> memref<200x128xf32, #tpu.memory_space<vmem>>
    %dma_wait3A_118 = arith.constant 0 : i32
    %dma_wait3A_119 = tpu.memref_slice %arg5[%add3A_112, %dma_wait3A_118] : memref<819200x128xf32, #tpu.memory_space<hbm>> -> memref<200x128xf32, #tpu.memory_space<hbm>>
    %dma_wait3A_120 = arith.constant 0 : i32
    %dma_wait3A_121 = tpu.memref_slice %arg5[%add3A_112, %dma_wait3A_120] : memref<819200x128xf32, #tpu.memory_space<hbm>> -> memref<200x128xf32, #tpu.memory_space<hbm>>
    %dma_wait3A_122 = arith.constant 0 : i32
    %dma_wait3A_123 = arith.constant 0 : i32
    %dma_wait3A_124 = tpu.memref_slice %arg10[%dma_wait3A_113, %dma_wait3A_122, %dma_wait3A_123] : memref<4x200x128xf32, #tpu.memory_space<vmem>> -> memref<1x200x128xf32, #tpu.memory_space<vmem>>
    %dma_wait3A_125 = tpu.memref_squeeze %dma_wait3A_124 : memref<1x200x128xf32, #tpu.memory_space<vmem>> -> memref<200x128xf32, #tpu.memory_space<vmem>>
    tpu.wait_dma2 semaphore(%arg23 : memref<!tpu.dma_semaphore, #tpu.memory_space<semaphore_mem>>) src(%dma_wait3A_125 : memref<200x128xf32, #tpu.memory_space<vmem>>) dst(%dma_wait3A_121 : memref<200x128xf32, #tpu.memory_space<hbm>>)
    return
  }
}

</mosaic_0001>

<sc_bundles>
// kernel: kernel.3.cloned.1.call-start
scs
__scs_entry_jumppad:
0x0: {  	(pc) =	sbr.rel $0x88, $3  }
0x1: {  	(tag) =	ssettag $0x0;
	lr =	simm.s32 $0x1  }
0x2: {  	[smem:$0x3F9E] =	sst lr;
	_ =	strace $0xD0000000  }
0x3: {  	_ = 	snop  }
0x4: {  	_ = 	snop  }
0x5: {  	_ = 	snop  }
0x6: {  	_ = 	snop  }
0x7: {  	_ = 	snop  }
__scs_overlays_trampoline_lowered:
0x8: {  	[smem:$0x3FAD] =	sst s0  }
0x9: {  	[smem:$0x3FAE] =	sst s1  }
0xa: {  	[smem:$0x3FAF] =	sst s2  }
0xb: {  	[smem:$0x3FB0] =	sst s3  }
0xc: {  	[smem:$0x3FB1] =	sst s4  }
0xd: {  	[smem:$0x3FB2] =	sst s5  }
0xe: {  	[smem:$0x3FB3] =	sst s6  }
0xf: {  	[smem:$0x3FB4] =	sst s7  }
0x10: {  	[smem:$0x3FB5] =	sst s8  }
0x11: {  	[smem:$0x3FB6] =	sst s9;
	s0 =	simm.s32 @!p0 $0x0  }
0x12: {  	s1 =	sld [smem:$0x3F9C];
	s0 =	simm.s32 @p0 $0x1  }
0x13: {  	[smem:$0x3FB7] =	sst s0;
	s0 =	simm.s32 @!p1 $0x0  }
0x14: {  	s2 =	sld [smem:$0x3F9B];
	s0 =	simm.s32 @p1 $0x1  }
0x15: {  	[smem:$0x3FB8] =	sst s0;
	s0 =	simm.s32 @!p2 $0x0  }
0x16: {  	s3 =	sld [smem:$0x3FDB];
	s0 =	simm.s32 @p2 $0x1  }
0x17: {  	s4 =	simm.s32 $0x1BF5;
	[smem:$0x3FBA] =	sst s0  }
0x18: {  	s0 =	sld [smem:$0x3F9D];
	_ =	swait.ge [sflag:s4], $0x0  }
0x19: {  	s7 =	sld [smem:$0x3F9E]  }
0x1a: {  	s8 =	sadd.s32 $0xFFFFE003, lr  }
0x1b: {  	s9 =	sadd.s32 $0xFFFFFEF7, lr;
	s5 =	simm.s32 $0xFFFFFFFF;
	p2 =	slt.u32 s8, $0xFFFFF086  }
0x1c: {  	p1 =	slt.u32 s9, $0xF7A;
	s5 =	simm.s32 @!p2 $0x0  }
0x1d: {  	s5 =	simm.s32 @p1 $0x1;
	p0 =	seq.s32 s7, s2  }
0x1e: {  	s7 =	smul.u32 @!p0 $0xF7A, s2;
	p2 =	seq.s32 @!p0 s5, $0x0  }
0x1f: {  	s9 =	smul.u32 $0xF7A, s1;
	s8 =	simm.s32 @!p0 $0x1BF5;
	p2 =	por !p2, p0  }
0x20: {  	[sflag:s8] =	ssyncset.s32 @!p0 $0xFFFFF086;
	s6 =	sadd.s32 @!p0 s3, s7;
	s7 =	simm.s32 @!p0 $0x108  }
0x21: {  	s3 =	sadd.s32 s3, s9;
	s6 =	sadd.s32 @!p0 $0x88, s6;
	s7 =	simm.s32 @p2 $0x1082  }
0x22: {  	[simem:s7], [sflag:s8] =	dma.local @!p0 [hbm:s6], $0xF7A  }
0x23: {  	s9 =	sor.u32 $0xD0000000, s2;
	s6 =	simm.s32 $0x108;
	_ =	swait.ge @!p0 [sflag:s8], $0x0  }
0x24: {  	s3 =	sadd.s32 $0x88, s3;
	s6 =	simm.s32 @!p1 $0x1082;
	[sflag:s4] =	ssyncset.s32 $0xFFFFF086  }
0x25: {  	[simem:s6], [sflag:s4] =	dma.local [hbm:s3], $0xF7A  }
0x26: {  	[smem:$0x3F9E] =	sst s1;
	(tag) =	ssettag s2;
	_ =	strace s9  }
0x27: {  	s1 =	sld [smem:$0x3FAE]  }
0x28: {  	s2 =	sld [smem:$0x3FAF]  }
0x29: {  	s4 =	sld [smem:$0x3FB1]  }
0x2a: {  	p0 =	seq.s32 s5, $0x0;
	s5 =	sld [smem:$0x3FB2]  }
0x2b: {  	s6 =	sld [smem:$0x3FB3]  }
0x2c: {  	s7 =	sld [smem:$0x3FB4]  }
0x2d: {  	s3 =	simm.s32 $0x108;
	s8 =	sld [smem:$0x3FB5]  }
0x2e: {  	s3 =	simm.s32 @!p0 $0x1082;
	s9 =	sld [smem:$0x3FB6]  }
0x2f: {  	lr =	sadd.s32 s0, s3;
	s0 =	sld [smem:$0x3FAD]  }
0x30: {  	s3 =	sld [smem:$0x3FB0]  }
0x31: {  	[smem:$0x3FB9] =	sst s10  }
0x32: {  	s10 =	sld [smem:$0x3FB7];
	_ =	sdelay $0x3  }
0x33: {  	p0 =	seq.s32 s10, $0x1;
	s10 =	sld [smem:$0x3FB9];
	_ =	sdelay $0x3  }
0x34: {  	[smem:$0x3FB9] =	sst s10  }
0x35: {  	s10 =	sld [smem:$0x3FB8];
	_ =	sdelay $0x3  }
0x36: {  	p1 =	seq.s32 s10, $0x1;
	s10 =	sld [smem:$0x3FB9];
	_ =	sdelay $0x3  }
0x37: {  	[smem:$0x3FB9] =	sst s10  }
0x38: {  	s10 =	sld [smem:$0x3FBA]  }
0x39: {  	_ = 	snop;
	(pc) =	sbr.ind lr, $3  }
0x3a: {  	_ = 	snop  }
0x3b: {  	_ = 	snop  }
0x3c: {  	p2 =	seq.s32 s10, $0x1;
	s10 =	sld [smem:$0x3FB9]  }
0x3d: {  	_ =	shalt  }
0x3e: {  	_ =	shalt  }
0x3f: {  	_ =	shalt  }
0x40: {  	_ =	shalt  }
0x41: {  	_ =	shalt  }
0x42: {  	_ =	shalt  }
0x43: {  	_ =	shalt  }
0x44: {  	_ =	shalt  }
0x45: {  	_ =	shalt  }
0x46: {  	_ =	shalt  }
0x47: {  	_ =	shalt  }
0x48: {  	_ =	shalt  }
0x49: {  	_ =	shalt  }
0x4a: {  	_ =	shalt  }
0x4b: {  	_ =	shalt  }
0x4c: {  	_ =	shalt  }
0x4d: {  	_ =	shalt  }
0x4e: {  	_ =	shalt  }
0x4f: {  	_ =	shalt  }
0x50: {  	_ =	shalt  }
0x51: {  	_ =	shalt  }
0x52: {  	_ =	shalt  }
0x53: {  	_ =	shalt  }
0x54: {  	_ =	shalt  }
0x55: {  	_ =	shalt  }
0x56: {  	_ =	shalt  }
0x57: {  	_ =	shalt  }
0x58: {  	_ =	shalt  }
0x59: {  	_ =	shalt  }
0x5a: {  	_ =	shalt  }
0x5b: {  	_ =	shalt  }
0x5c: {  	_ =	shalt  }
0x5d: {  	_ =	shalt  }
0x5e: {  	_ =	shalt  }
0x5f: {  	_ =	shalt  }
0x60: {  	_ =	shalt  }
0x61: {  	_ =	shalt  }
0x62: {  	_ =	shalt  }
0x63: {  	_ =	shalt  }
0x64: {  	_ =	shalt  }
0x65: {  	_ =	shalt  }
0x66: {  	_ =	shalt  }
0x67: {  	_ =	shalt  }
0x68: {  	_ =	shalt  }
0x69: {  	_ =	shalt  }
0x6a: {  	_ =	shalt  }
0x6b: {  	_ =	shalt  }
0x6c: {  	_ =	shalt  }
0x6d: {  	_ =	shalt  }
0x6e: {  	_ =	shalt  }
0x6f: {  	_ =	shalt  }
0x70: {  	_ =	shalt  }
0x71: {  	_ =	shalt  }
0x72: {  	_ =	shalt  }
0x73: {  	_ =	shalt  }
0x74: {  	_ =	shalt  }
0x75: {  	_ =	shalt  }
0x76: {  	_ =	shalt  }
0x77: {  	_ =	shalt  }
0x78: {  	_ =	shalt  }
0x79: {  	_ =	shalt  }
0x7a: {  	_ =	shalt  }
0x7b: {  	_ =	shalt  }
0x7c: {  	_ =	shalt  }
0x7d: {  	_ =	shalt  }
0x7e: {  	_ =	shalt  }
0x7f: {  	_ =	shalt  }
0x80: {  	_ =	shalt  }
0x81: {  	_ =	shalt  }
0x82: {  	_ =	shalt  }
0x83: {  	_ =	shalt  }
0x84: {  	_ =	shalt  }
0x85: {  	_ =	shalt  }
0x86: {  	_ =	shalt  }
0x87: {  	_ =	shalt  }
.Lfunc_end0:
.L_simem_size_0:
called_computation_lowered:
.L_overlay_start_0:
0x88: {  	s2 =	sld [smem:$0x3FD9]  }
0x89: {  	s3 =	sld [smem:$0x3FFE];
	_ =	sdelay $0x1  }
0x8a: {  	s1 =	srdreg.scid  }
0x8b: {  	s0 =	sand.u32 $0x1, s1  }
0x8c: {  	s17 =	sshll.u32 s0, $0xA;
	s2 =	sadd.s32 s3, s2  }
0x8d: {  	s2 =	sadd.s32 s2, s17  }
0x8e: {  	[smem:$0x3FC5] =	sst s2  }
0x8f: {  	_ = 	snop  }
0x90: {  	s2 =	sld [smem:$0x3FC8]  }
0x91: {  	s18 =	sld [smem:$0x3FD0];
	(tm) =	ssettm $0x1  }
0x92: {  	s4 =	sld [smem:$0x3FFB];
	_ =	sdelay $0x3  }
0x93: {  	_ =	strace s4  }
0x94: {  	s4 =	sld [smem:$0x3FFC];
	_ =	sdelay $0x3  }
0x95: {  	_ =	strace s4  }
0x96: {  	s4 =	sld [smem:$0x3FFD];
	_ =	sdelay $0x3  }
0x97: {  	_ =	strace s4  }
0x98: {  	_ =	strace $0x8FFFFFFF  }
0x99: {  	s19 =	sld [smem:$0x3FDB];
	_ =	sdelay $0x1  }
0x9a: {  	s5 =	simm.s32 $_scs_section_size  }
0x9b: {  	s6 =	simm.s32 $_size__tile_overlayer_lowered;
	s7 =	simm.s32 $_tile_overlayer_lowered  }
0x9c: {  	s22 =	simm.s32 $0x1BFF;
	s21 =	sshll.u32 s7, $0x1;
	s4 =	sadd.s32 s5, s19  }
0x9d: {  	s8 =	simm.s32 $0x0;
	s20 =	sshll.u32 s6, $0x1;
	s6 =	sadd.s32 s21, s4  }
0x9e: {  	[timem:s8], [sflag:s22] =	dma.local [hbm:s6], s20  }
0x9f: {  	_ =	swait.ge [sflag:s22], s20  }
0xa0: {  	s5 =	ssub.s32 $0x0, s20;
	[sflag:s22] =	ssyncset.done $0x0  }
0xa1: {  	[sflag:s22] =	ssyncadd.s32 s5;
	_ =	sdelay $0x1  }
0xa2: {  	s23 =	simm.s32 $0x1B8B  }
0xa3: {  	_ =	swait.ge [sflag:s23], $0x1  }
0xa4: {  	[sflag:s23] =	ssyncset.done $0x0  }
0xa5: {  	s25 =	simm.s32 $0x1B8E;
	s24 =	sld [smem:$0x3FFE];
	[sflag:s23] =	ssyncadd.s32 $0xFFFFFFFF  }
0xa6: {  	s26 =	simm.s32 $execute0_lowered;
	[smem:$0x3FD2] =	sst s25  }
0xa7: {  	s6 =	sshll.u32 s26, $0x1;
	_ =	strace $0x80000046;
	[dreg:$0x1] =	wrdreg $0xFFFFFFFF  }
0xa8: {  	s28 =	simm.s32 $_size_execute0_lowered;
	s4 =	sadd.s32 s4, s6;
	[dreg:$0x0] =	wrdreg $0x0  }
0xa9: {  	s6 =	sshll.u32 s28, $0x1;
	[dreg:$0x2] =	wrdreg s4  }
0xaa: {  	[dreg:$0x3] =	wrdreg s6  }
0xab: {  	[dreg:$0x4] =	wrdreg $0xC0  }
0xac: {  	_ =	task [dreg:s8], $0x5FFFF  }
0xad: {  	[dreg:$0x1] =	wrdreg $0xFFFFFFFF  }
0xae: {  	[dreg:$0x0] =	wrdreg $0x60  }
0xaf: {  	[dreg:$0x2] =	wrdreg s24  }
0xb0: {  	[dreg:$0x3] =	wrdreg s2  }
0xb1: {  	[dreg:$0x4] =	wrdreg s18  }
0xb2: {  	[dreg:$0x5] =	wrdreg $0x9  }
0xb3: {  	_ =	task.clear_ibuf [dreg:s8], $0x6FFFF;
	_ =	strace $0x90000046  }
0xb4: {  	s29 =	simm.s32 $0x9;
	_ =	strace $0x80000048  }
0xb5: {  	_ =	swait.ge [sflag:s29], $0x1  }
0xb6: {  	[sflag:s29] =	ssyncadd.s32 $0xFFFFFFFF  }
0xb7: {  	_ =	strace $0x90000048  }
0xb8: {  	_ =	sfence  }
0xb9: {  	s30 =	sld [smem:$0x0];
	_ =	sdelay $0x2  }
0xba: {  	s31 =	sshll.u32 s1, $0xD;
	s1 =	sshrl.u32 s1, $0x2  }
0xbb: {  	s3 =	sand.u32 $0x4000, s31;
	s1 =	sadd.s32 s1, s30  }
0xbc: {  	s0 =	sor.u32 s3, s0;
	s1 =	sshll.u32 s1, $0x11  }
0xbd: {  	s0 =	sor.u32 s1, s0  }
0xbe: {  	s0 =	sadd.s32 $0x8F2B, s0  }
0xbf: {  	[sflag:s0] =	ssyncadd.remote.s32 $0x1  }
0xc0: {  	_ =	sfence.sel $0xFFFF  }
0xc1: {  	[dreg:$0x0] =	wrdreg $0xFFFFFFFF;
	(pc) =	sbr.abs _section_cstart, $3  }
0xc2: {  	[dreg:$0x1] =	wrdreg $0xFFFFFFFF  }
0xc3: {  	_ =	task.clear_ibuf [dreg:s8], $0x2FFFF;
	_ =	strace $0x9FFFFFFF  }
0xc4: {  	(tm) =	ssettm $0x7FFFFFFF  }
0xc5: {  	_ =	shalt  }
tec
execute0_lowered:
.L_overlay_start_1:
0x0: {  	(tag) =	ssettag $0x1  }
0x1: {  	s0 =	rddreg [dreg:$0x0];
	s1 =	srdreg.scid  }
0x2: {  	s3 =	stileid.u32;
	s2 =	rddreg [dreg:$0x1];
	s23 =	simm.s32 $0x68  }
0x3: {  	s24 =	simm.s32 $0x400;
	s29 =	simm.s32 $0x6800;
	s30 =	simm.s32 $0x300  }
0x4: {  	s31 =	simm.s32 $0x5;
	s20 =	simm.s32 $0x4;
	s17 =	simm.s32 $0x6  }
0x5: {  	s19 =	simm.s32 $0x8;
	s18 =	simm.s32 $0x0;
	s1 =	sand.u32 $0x1, s1  }
0x6: {  	s4 =	sshll.u32 s3, $0x1;
	s3 =	rddreg [dreg:$0x2];
	s6 =	sadd.s32 $0x1200, s0  }
0x7: {  	s0 =	sadd.s32 $0x400, s0;
	s5 =	sor.u32 s1, s4;
	s4 =	simm.s32 $0x0  }
0x8: {  	s1 =	ssub.s32 $0x2, s1;
	s5 =	smul.u32 $0x6400, s5;
	[smem:$0x7FF] =	sst s4  }
0x9: {  	s8 =	sshrl.u32 s1, $0x1;
	_ =	strace $0x80000047;
	[dreg:$0x5] =	wrdreg s0  }
0xa: {  	s25 =	ssub.s32 s1, s8;
	s1 =	simm.s32 $0x3;
	s8 =	simm.s32 $0x13000  }
0xb: {  	s7 =	sshrl.u32 s5, $0x3;
	s11 =	sor.u32 $0x258, s5;
	s12 =	sor.u32 $0x320, s5  }
0xc: {  	s13 =	sor.u32 $0xC8, s5;
	s14 =	sor.u32 $0x3E8, s5;
	s0 =	smax.u32 s25, $0x1  }
0xd: {  	s15 =	sor.u32 $0x190, s5;
	s7 =	sadd.s32 s6, s7;
	[dreg:$0x8] =	wrdreg s0  }
0xe: {  	s16 =	sadd.s32 $0x4B0, s5;
	s26 =	sadd.s32 $0x19, s7;
	[dreg:$0x4] =	wrdreg s7  }
0xf: {  	s25 =	simm.s32 $0x60;
	s28 =	sadd.s32 $0x32, s7;
	[dreg:$0x6] =	wrdreg s26  }
0x10: {  	s0 =	simm.s32 $0xCC00;
	s7 =	simm.s32 $0x7;
	[dreg:$0x7] =	wrdreg s28  }
.LBB2_1:
0x11: {  	[dreg:$0x9] =	wrdreg s18  }
0x12: {  	s9 =	rddreg [dreg:$0x5];
	s10 =	simm.s32 $0x19400;
	s26 =	simm.s32 $0xD  }
0x13: {  	[tilespmem:s10], [sflag:$0xD] =	stream.linear.gather [hbm4b:s9+s4], $0x6400, $0x38;
	[tilespmem:$0x1F800] =	vst v63  }
0x14: {  	_ =	swait.ge [sflag:s26], $0x6400  }
0x15: {  	[sflag:s26] =	ssyncset.done $0x0  }
0x16: {  	s10 =	rddreg [dreg:$0x4];
	[sflag:s26] =	ssyncadd.s32 $0xFFFF9C00  }
0x17: {  	[tilespmem:s4], [sflag:$0x1] =	stream.linear.gather [hbm4b:s10+s4], $0xC8, $0x38;
	[tilespmem:$0x1F800] =	vst v63  }
0x18: {  	s18 =	rddreg [dreg:$0x6];
	s10 =	simm.s32 $0x100  }
0x19: {  	[tilespmem:s10], [sflag:$0x2] =	stream.linear.gather [hbm4b:s18+s4], $0xC8, $0x38;
	[tilespmem:$0x1F800] =	vst v63  }
0x1a: {  	s22 =	simm.s32 $0x200;
	s21 =	rddreg [dreg:$0x7];
	s26 =	simm.s32 $0x1  }
0x1b: {  	[tilespmem:s22], [sflag:$0x3] =	stream.linear.gather [hbm4b:s21+s4], $0xC8, $0x38;
	[tilespmem:$0x1F800] =	vst v63  }
0x1c: {  	_ =	swait.ge [sflag:s26], $0xC8  }
0x1d: {  	[sflag:s26] =	ssyncset.done $0x0  }
0x1e: {  	[sflag:s26] =	ssyncadd.s32 $0xFFFFFF38  }
0x1f: {  	[tilespmem:s24], [sflag:$0x5] =	stream.indirect.gather [hbm4b:s2+s23], $0x80, s4, s23, $0xb8;
	[tilespmem:$0x1F800] =	vst v63  }
0x20: {  	s18 =	simm.s32 $0x3800;
	s21 =	simm.s32 $0x2  }
0x21: {  	[tilespmem:s18], [sflag:$0x5] =	stream.indirect.gather [hbm4b:s2+s25], $0x80, s23, s25, $0xb8;
	[tilespmem:$0x1F800] =	vst v63  }
0x22: {  	_ =	swait.ge [sflag:s21], $0xC8  }
0x23: {  	[sflag:s21] =	ssyncset.done $0x0  }
0x24: {  	[sflag:s21] =	ssyncadd.s32 $0xFFFFFF38  }
0x25: {  	[tilespmem:s29], [sflag:$0x6] =	stream.indirect.gather [hbm4b:s2+s23], $0x80, s10, s23, $0xb8;
	[tilespmem:$0x1F800] =	vst v63  }
0x26: {  	s28 =	simm.s32 $0x0;
	s22 =	simm.s32 $0x168;
	s26 =	simm.s32 $0x9C00  }
0x27: {  	[tilespmem:s26], [sflag:$0x6] =	stream.indirect.gather [hbm4b:s2+s25], $0x80, s22, s25, $0xb8;
	[tilespmem:$0x1F800] =	vst v63  }
.LBB2_2:
0x28: {  	p0 =	seq.s32 s28, $0x0  }
0x29: {  	s9 =	simm.s32 @!p0 $0xB  }
0x2a: {  	_ =	swait.ge @!p0 [sflag:s9], $0x6400  }
0x2b: {  	[sflag:s9] =	ssyncset.done @!p0 $0x0  }
0x2c: {  	[sflag:s9] =	ssyncadd.s32 @!p0 $0xFFFF9C00  }
0x2d: {  	_ =	swait.ge [sflag:s1], $0xC8  }
0x2e: {  	[sflag:s1] =	ssyncset.done $0x0  }
0x2f: {  	s21 =	simm.s32 $0x200;
	[sflag:s1] =	ssyncadd.s32 $0xFFFFFF38  }
0x30: {  	[tilespmem:s0], [sflag:$0x7] =	stream.indirect.gather [hbm4b:s2+s23], $0x80, s21, s23, $0xb8;
	[tilespmem:$0x1F800] =	vst v63  }
0x31: {  	s18 =	smul.u32 $0x320, s28;
	s22 =	simm.s32 $0x268;
	s10 =	simm.s32 $0x10000  }
0x32: {  	[tilespmem:s10], [sflag:$0x7] =	stream.indirect.gather [hbm4b:s2+s25], $0x80, s22, s25, $0xb8;
	[tilespmem:$0x1F800] =	vst v63  }
0x33: {  	s22 =	sadd.s32 s18, s11  }
0x34: {  	s26 =	sshrl.u32 s22, $0x3  }
0x35: {  	s9 =	sadd.s32 s6, s26  }
0x36: {  	[tilespmem:s30], [sflag:$0x4] =	stream.linear.gather [hbm4b:s9+s4], $0xC8, $0x38;
	[tilespmem:$0x1F800] =	vst v63  }
0x37: {  	_ =	swait.ge [sflag:s31], $0x3400  }
0x38: {  	[sflag:s31] =	ssyncset.done $0x0  }
0x39: {  	[sflag:s31] =	ssyncadd.s32 $0xFFFFCC00  }
0x3a: {  	_ =	swait.ge [sflag:s31], $0x3000  }
0x3b: {  	[sflag:s31] =	ssyncset.done $0x0  }
0x3c: {  	s26 =	simm.s32 $0x500;
	[sflag:s31] =	ssyncadd.s32 $0xFFFFD000  }
0x3d: {  	s9 =	simm.s32 $0x19500;
	v0 =	vld [tilespmem:s26+$0x80]  }
0x3e: {  	v1 =	vld [tilespmem:s9+$0x80]  }
0x3f: {  	v2 =	vld [tilespmem:s26+$0xFFFFFF80]  }
0x40: {  	v3 =	vld [tilespmem:s9+$0xFFFFFF80]  }
0x41: {  	v4 =	vld [tilespmem:s26+$0x0]  }
0x42: {  	v5 =	vld [tilespmem:s9+$0x0]  }
0x43: {  	v6 =	vld [tilespmem:s26+$0xFFFFFF00];
	v0 =	vadd.f32 v1, v0  }
0x44: {  	v1 =	vld [tilespmem:s9+$0xFFFFFF00]  }
0x45: {  	[tilespmem:s26+$0x80] =	vst v0;
	v0 =	vld [tilespmem:s26+$0x90]  }
0x46: {  	v2 =	vadd.f32 v3, v2;
	v3 =	vld [tilespmem:s9+$0x90]  }
0x47: {  	v7 =	vld [tilespmem:s26+$0xFFFFFF10]  }
0x48: {  	[tilespmem:s26+$0xFFFFFF80] =	vst v2;
	v2 =	vadd.f32 v5, v4;
	v4 =	vld [tilespmem:s26+$0xFFFFFF90]  }
0x49: {  	v5 =	vld [tilespmem:s9+$0xFFFFFF90];
	v1 =	vadd.f32 v1, v6  }
0x4a: {  	[tilespmem:s26+$0x0] =	vst v2;
	v2 =	vld [tilespmem:s26+$0x10]  }
0x4b: {  	v6 =	vld [tilespmem:s9+$0x10];
	[tilespmem:s26+$0xFFFFFF00] =	vst v1;
	v0 =	vadd.f32 v3, v0  }
0x4c: {  	v1 =	vld [tilespmem:s9+$0xFFFFFF10]  }
0x4d: {  	[tilespmem:s26+$0x90] =	vst v0;
	v0 =	vld [tilespmem:s26+$0xA0]  }
0x4e: {  	v3 =	vadd.f32 v5, v4;
	v4 =	vld [tilespmem:s9+$0xA0]  }
0x4f: {  	v5 =	vld [tilespmem:s26+$0xFFFFFF20]  }
0x50: {  	[tilespmem:s26+$0xFFFFFF90] =	vst v3;
	v2 =	vadd.f32 v6, v2;
	v3 =	vld [tilespmem:s26+$0xFFFFFFA0]  }
0x51: {  	v6 =	vld [tilespmem:s9+$0xFFFFFFA0];
	v1 =	vadd.f32 v1, v7  }
0x52: {  	[tilespmem:s26+$0x10] =	vst v2;
	v2 =	vld [tilespmem:s26+$0x20]  }
0x53: {  	v7 =	vld [tilespmem:s9+$0x20];
	[tilespmem:s26+$0xFFFFFF10] =	vst v1;
	v0 =	vadd.f32 v4, v0  }
0x54: {  	v1 =	vld [tilespmem:s9+$0xFFFFFF20]  }
0x55: {  	[tilespmem:s26+$0xA0] =	vst v0;
	v0 =	vld [tilespmem:s26+$0xB0]  }
0x56: {  	v3 =	vadd.f32 v6, v3;
	v4 =	vld [tilespmem:s9+$0xB0]  }
0x57: {  	v6 =	vld [tilespmem:s26+$0xFFFFFF30]  }
0x58: {  	[tilespmem:s26+$0xFFFFFFA0] =	vst v3;
	v2 =	vadd.f32 v7, v2;
	v3 =	vld [tilespmem:s26+$0xFFFFFFB0]  }
0x59: {  	v7 =	vld [tilespmem:s9+$0xFFFFFFB0];
	v1 =	vadd.f32 v1, v5  }
0x5a: {  	[tilespmem:s26+$0x20] =	vst v2;
	v2 =	vld [tilespmem:s26+$0x30]  }
0x5b: {  	v5 =	vld [tilespmem:s9+$0x30];
	[tilespmem:s26+$0xFFFFFF20] =	vst v1;
	v0 =	vadd.f32 v4, v0  }
0x5c: {  	v1 =	vld [tilespmem:s9+$0xFFFFFF30]  }
0x5d: {  	[tilespmem:s26+$0xB0] =	vst v0;
	v0 =	vld [tilespmem:s26+$0xC0]  }
0x5e: {  	v3 =	vadd.f32 v7, v3;
	v4 =	vld [tilespmem:s9+$0xC0]  }
0x5f: {  	v7 =	vld [tilespmem:s26+$0xFFFFFF40]  }
0x60: {  	[tilespmem:s26+$0xFFFFFFB0] =	vst v3;
	v2 =	vadd.f32 v5, v2;
	v3 =	vld [tilespmem:s26+$0xFFFFFFC0]  }
0x61: {  	v5 =	vld [tilespmem:s9+$0xFFFFFFC0];
	v1 =	vadd.f32 v1, v6  }
0x62: {  	[tilespmem:s26+$0x30] =	vst v2;
	v2 =	vld [tilespmem:s26+$0x40]  }
0x63: {  	v6 =	vld [tilespmem:s9+$0x40];
	[tilespmem:s26+$0xFFFFFF30] =	vst v1;
	v0 =	vadd.f32 v4, v0  }
0x64: {  	v1 =	vld [tilespmem:s9+$0xFFFFFF40]  }
0x65: {  	[tilespmem:s26+$0xC0] =	vst v0;
	v0 =	vld [tilespmem:s26+$0xD0]  }
0x66: {  	v3 =	vadd.f32 v5, v3;
	v4 =	vld [tilespmem:s9+$0xD0]  }
0x67: {  	v5 =	vld [tilespmem:s26+$0xFFFFFF50]  }
0x68: {  	[tilespmem:s26+$0xFFFFFFC0] =	vst v3;
	v2 =	vadd.f32 v6, v2;
	v3 =	vld [tilespmem:s26+$0xFFFFFFD0]  }
0x69: {  	v6 =	vld [tilespmem:s9+$0xFFFFFFD0];
	v1 =	vadd.f32 v1, v7  }
0x6a: {  	[tilespmem:s26+$0x40] =	vst v2;
	v2 =	vld [tilespmem:s26+$0x50]  }
0x6b: {  	v7 =	vld [tilespmem:s9+$0x50];
	[tilespmem:s26+$0xFFFFFF40] =	vst v1;
	v0 =	vadd.f32 v4, v0  }
0x6c: {  	v1 =	vld [tilespmem:s9+$0xFFFFFF50]  }
0x6d: {  	[tilespmem:s26+$0xD0] =	vst v0;
	v0 =	vld [tilespmem:s26+$0xE0]  }
0x6e: {  	v3 =	vadd.f32 v6, v3;
	v4 =	vld [tilespmem:s9+$0xE0]  }
0x6f: {  	v6 =	vld [tilespmem:s26+$0xFFFFFF60]  }
0x70: {  	[tilespmem:s26+$0xFFFFFFD0] =	vst v3;
	v2 =	vadd.f32 v7, v2;
	v3 =	vld [tilespmem:s26+$0xFFFFFFE0]  }
0x71: {  	v7 =	vld [tilespmem:s9+$0xFFFFFFE0];
	v1 =	vadd.f32 v1, v5  }
0x72: {  	[tilespmem:s26+$0x50] =	vst v2;
	v2 =	vld [tilespmem:s26+$0x60]  }
0x73: {  	v5 =	vld [tilespmem:s9+$0x60];
	[tilespmem:s26+$0xFFFFFF50] =	vst v1;
	v0 =	vadd.f32 v4, v0  }
0x74: {  	v4 =	vld [tilespmem:s9+$0xFFFFFF60]  }
0x75: {  	v8 =	vld [tilespmem:s26+$0xF0];
	[tilespmem:s26+$0xE0] =	vst v0  }
0x76: {  	v1 =	vadd.f32 v7, v3;
	v7 =	vld [tilespmem:s9+$0xF0]  }
0x77: {  	v0 =	vld [tilespmem:s26+$0xFFFFFF70]  }
0x78: {  	[tilespmem:s26+$0xFFFFFFE0] =	vst v1;
	v2 =	vadd.f32 v5, v2;
	v1 =	vld [tilespmem:s26+$0xFFFFFFF0]  }
0x79: {  	v3 =	vld [tilespmem:s9+$0xFFFFFFF0];
	v4 =	vadd.f32 v4, v6  }
0x7a: {  	[tilespmem:s26+$0x60] =	vst v2;
	v2 =	vld [tilespmem:s26+$0x70]  }
0x7b: {  	[tilespmem:s26+$0xFFFFFF60] =	vst v4;
	v4 =	vld [tilespmem:s9+$0x70];
	v6 =	vadd.f32 v7, v8  }
0x7c: {  	s21 =	simm.s32 $0x700;
	s10 =	simm.s32 $0x0;
	v5 =	vld [tilespmem:s9+$0xFFFFFF70]  }
.LBB2_3:
0x7d: {  	v7 =	vld [tilespmem:s21+$0x80];
	[tilespmem:s26+$0xF0] =	vst v6;
	s9 =	sadd.s32 $0x200, s9  }
0x7e: {  	s10 =	sadd.s32 $0x4, s10;
	v6 =	vld [tilespmem:s9+$0x80];
	v1 =	vadd.f32 v3, v1  }
0x7f: {  	p1 =	slt.u32 s10, $0xC4;
	v3 =	vld [tilespmem:s9+$0xFFFFFF00]  }
0x80: {  	v8 =	vld [tilespmem:s21+$0xFFFFFF80];
	[tilespmem:s26+$0xFFFFFFF0] =	vst v1;
	v1 =	vadd.f32 v4, v2  }
0x81: {  	v2 =	vld [tilespmem:s9+$0xFFFFFF80];
	v0 =	vadd.f32 v5, v0  }
0x82: {  	v4 =	vld [tilespmem:s21+$0x0];
	[tilespmem:s26+$0x70] =	vst v1  }
0x83: {  	v1 =	vld [tilespmem:s9+$0x0];
	v5 =	vadd.f32 v6, v7;
	[tilespmem:s26+$0xFFFFFF70] =	vst v0;
	s26 =	smov.u32 s21  }
0x84: {  	v0 =	vld [tilespmem:s21+$0xFFFFFF00]  }
0x85: {  	[tilespmem:s21+$0x80] =	vst v5;
	v5 =	vld [tilespmem:s21+$0x90]  }
0x86: {  	v2 =	vadd.f32 v2, v8;
	v6 =	vld [tilespmem:s9+$0x90]  }
0x87: {  	v7 =	vld [tilespmem:s21+$0xFFFFFF10]  }
0x88: {  	[tilespmem:s21+$0xFFFFFF80] =	vst v2;
	v2 =	vld [tilespmem:s21+$0xFFFFFF90];
	v1 =	vadd.f32 v1, v4  }
0x89: {  	v0 =	vadd.f32 v3, v0;
	v3 =	vld [tilespmem:s9+$0xFFFFFF90]  }
0x8a: {  	[tilespmem:s21+$0x0] =	vst v1;
	v1 =	vld [tilespmem:s21+$0x10]  }
0x8b: {  	[tilespmem:s21+$0xFFFFFF00] =	vst v0;
	v0 =	vld [tilespmem:s9+$0x10];
	v4 =	vadd.f32 v6, v5  }
0x8c: {  	v5 =	vld [tilespmem:s9+$0xFFFFFF10]  }
0x8d: {  	[tilespmem:s21+$0x90] =	vst v4;
	v4 =	vld [tilespmem:s21+$0xA0]  }
0x8e: {  	v2 =	vadd.f32 v3, v2;
	v3 =	vld [tilespmem:s9+$0xA0]  }
0x8f: {  	v6 =	vld [tilespmem:s21+$0xFFFFFF20]  }
0x90: {  	[tilespmem:s21+$0xFFFFFF90] =	vst v2;
	v2 =	vld [tilespmem:s21+$0xFFFFFFA0];
	v0 =	vadd.f32 v0, v1  }
0x91: {  	v1 =	vadd.f32 v5, v7;
	v5 =	vld [tilespmem:s9+$0xFFFFFFA0]  }
0x92: {  	[tilespmem:s21+$0x10] =	vst v0;
	v0 =	vld [tilespmem:s21+$0x20]  }
0x93: {  	[tilespmem:s21+$0xFFFFFF10] =	vst v1;
	v1 =	vld [tilespmem:s9+$0x20];
	v3 =	vadd.f32 v3, v4  }
0x94: {  	v4 =	vld [tilespmem:s9+$0xFFFFFF20]  }
0x95: {  	[tilespmem:s21+$0xA0] =	vst v3;
	v3 =	vld [tilespmem:s21+$0xB0]  }
0x96: {  	v2 =	vadd.f32 v5, v2;
	v5 =	vld [tilespmem:s9+$0xB0]  }
0x97: {  	v7 =	vld [tilespmem:s21+$0xFFFFFF30]  }
0x98: {  	[tilespmem:s21+$0xFFFFFFA0] =	vst v2;
	v2 =	vld [tilespmem:s21+$0xFFFFFFB0];
	v0 =	vadd.f32 v1, v0  }
0x99: {  	v1 =	vadd.f32 v4, v6;
	v4 =	vld [tilespmem:s9+$0xFFFFFFB0]  }
0x9a: {  	[tilespmem:s21+$0x20] =	vst v0;
	v0 =	vld [tilespmem:s21+$0x30]  }
0x9b: {  	[tilespmem:s21+$0xFFFFFF20] =	vst v1;
	v1 =	vld [tilespmem:s9+$0x30];
	v3 =	vadd.f32 v5, v3  }
0x9c: {  	v5 =	vld [tilespmem:s9+$0xFFFFFF30]  }
0x9d: {  	[tilespmem:s21+$0xB0] =	vst v3;
	v3 =	vld [tilespmem:s21+$0xC0]  }
0x9e: {  	v2 =	vadd.f32 v4, v2;
	v4 =	vld [tilespmem:s9+$0xC0]  }
0x9f: {  	v6 =	vld [tilespmem:s21+$0xFFFFFF40]  }
0xa0: {  	[tilespmem:s21+$0xFFFFFFB0] =	vst v2;
	v2 =	vld [tilespmem:s21+$0xFFFFFFC0];
	v0 =	vadd.f32 v1, v0  }
0xa1: {  	v1 =	vadd.f32 v5, v7;
	v5 =	vld [tilespmem:s9+$0xFFFFFFC0]  }
0xa2: {  	[tilespmem:s21+$0x30] =	vst v0;
	v0 =	vld [tilespmem:s21+$0x40]  }
0xa3: {  	[tilespmem:s21+$0xFFFFFF30] =	vst v1;
	v1 =	vld [tilespmem:s9+$0x40];
	v3 =	vadd.f32 v4, v3  }
0xa4: {  	v4 =	vld [tilespmem:s9+$0xFFFFFF40]  }
0xa5: {  	[tilespmem:s21+$0xC0] =	vst v3;
	v3 =	vld [tilespmem:s21+$0xD0]  }
0xa6: {  	v2 =	vadd.f32 v5, v2;
	v5 =	vld [tilespmem:s9+$0xD0]  }
0xa7: {  	v7 =	vld [tilespmem:s21+$0xFFFFFF50]  }
0xa8: {  	[tilespmem:s21+$0xFFFFFFC0] =	vst v2;
	v2 =	vld [tilespmem:s21+$0xFFFFFFD0];
	v0 =	vadd.f32 v1, v0  }
0xa9: {  	v1 =	vadd.f32 v4, v6;
	v4 =	vld [tilespmem:s9+$0xFFFFFFD0]  }
0xaa: {  	[tilespmem:s21+$0x40] =	vst v0;
	v0 =	vld [tilespmem:s21+$0x50]  }
0xab: {  	[tilespmem:s21+$0xFFFFFF40] =	vst v1;
	v1 =	vld [tilespmem:s9+$0x50];
	v3 =	vadd.f32 v5, v3  }
0xac: {  	v5 =	vld [tilespmem:s9+$0xFFFFFF50]  }
0xad: {  	[tilespmem:s21+$0xD0] =	vst v3;
	v3 =	vld [tilespmem:s21+$0xE0]  }
0xae: {  	v2 =	vadd.f32 v4, v2;
	v4 =	vld [tilespmem:s9+$0xE0]  }
0xaf: {  	v6 =	vld [tilespmem:s21+$0xFFFFFF60]  }
0xb0: {  	[tilespmem:s21+$0xFFFFFFD0] =	vst v2;
	v2 =	vld [tilespmem:s21+$0xFFFFFFE0];
	v0 =	vadd.f32 v1, v0  }
0xb1: {  	v1 =	vadd.f32 v5, v7;
	v5 =	vld [tilespmem:s9+$0xFFFFFFE0]  }
0xb2: {  	[tilespmem:s21+$0x50] =	vst v0;
	v7 =	vld [tilespmem:s21+$0x60]  }
0xb3: {  	[tilespmem:s21+$0xFFFFFF50] =	vst v1;
	v8 =	vld [tilespmem:s9+$0x60];
	v0 =	vadd.f32 v4, v3  }
0xb4: {  	v3 =	vld [tilespmem:s9+$0xFFFFFF60]  }
0xb5: {  	[tilespmem:s21+$0xE0] =	vst v0;
	v9 =	vld [tilespmem:s21+$0xF0]  }
0xb6: {  	v1 =	vadd.f32 v5, v2;
	v5 =	vld [tilespmem:s9+$0xF0]  }
0xb7: {  	v0 =	vld [tilespmem:s21+$0xFFFFFF70]  }
.Ltmp0:
0xb8: {  	[tilespmem:s21+$0xFFFFFFE0] =	vst v1;
	v1 =	vld [tilespmem:s21+$0xFFFFFFF0];
	v2 =	vadd.f32 v8, v7;
	(pc) =	sbr.rel @p1 .LBB2_3-.Ltmp0, $4  }
0xb9: {  	v4 =	vadd.f32 v3, v6;
	v3 =	vld [tilespmem:s9+$0xFFFFFFF0]  }
0xba: {  	[tilespmem:s21+$0x60] =	vst v2;
	v2 =	vld [tilespmem:s21+$0x70]  }
0xbb: {  	[tilespmem:s21+$0xFFFFFF60] =	vst v4;
	v4 =	vld [tilespmem:s9+$0x70];
	v6 =	vadd.f32 v5, v9  }
0xbc: {  	s21 =	sadd.s32 $0x200, s21;
	v5 =	vld [tilespmem:s9+$0xFFFFFF70]  }
0xbd: {  	_ =	sdelay $0x1  }
0xbe: {  	v1 =	vadd.f32 v3, v1  }
0xbf: {  	[tilespmem:s26+$0xF0] =	vst v6;
	v2 =	vadd.f32 v4, v2  }
0xc0: {  	s9 =	sadd.s32 s5, s18;
	[tilespmem:s26+$0xFFFFFFF0] =	vst v1;
	v0 =	vadd.f32 v5, v0  }
0xc1: {  	s9 =	sshll.u32 s9, $0x4;
	[tilespmem:s26+$0x70] =	vst v2  }
0xc2: {  	s9 =	sadd.s32 s3, s9;
	[tilespmem:s26+$0xFFFFFF70] =	vst v0  }
0xc3: {  	[hbm4b:s9+s4] =	stream.linear.scatter [tilespmem:s24], [sflag:$0x9], $0x6400, $0x38;
	[tilespmem:$0x1F800] =	vst v63  }
0xc4: {  	s9 =	simm.s32 @!p0 $0xC  }
0xc5: {  	_ =	swait.ge @!p0 [sflag:s9], $0x6400  }
0xc6: {  	[sflag:s9] =	ssyncset.done @!p0 $0x0  }
0xc7: {  	[sflag:s9] =	ssyncadd.s32 @!p0 $0xFFFF9C00  }
0xc8: {  	_ =	swait.ge [sflag:s20], $0xC8  }
0xc9: {  	p0 =	seq.s32 s28, $0x1F;
	[sflag:s20] =	ssyncset.done $0x0  }
0xca: {  	s9 =	sadd.s32 @!p0 s18, s12;
	[sflag:s20] =	ssyncadd.s32 $0xFFFFFF38  }
0xcb: {  	[tilespmem:s8], [sflag:$0x8] =	stream.indirect.gather [hbm4b:s2+s23], $0x80, s30, s23, $0xb8;
	[tilespmem:$0x1F800] =	vst v63  }
0xcc: {  	s10 =	simm.s32 $0x16400;
	s26 =	simm.s32 $0x368;
	s9 =	sshrl.u32 @!p0 s9, $0x3  }
0xcd: {  	[tilespmem:s10], [sflag:$0x8] =	stream.indirect.gather [hbm4b:s2+s25], $0x80, s26, s25, $0xb8;
	[tilespmem:$0x1F800] =	vst v63  }
0xce: {  	s9 =	sadd.s32 @!p0 s6, s9;
	s10 =	simm.s32 @!p0 $0x0  }
0xcf: {  	[tilespmem:s10], [sflag:$0x1] =	stream.linear.gather @!p0 [hbm4b:s9+s10], $0xC8, $0x38;
	[tilespmem:$0x1F800] =	vst v63  }
0xd0: {  	_ =	swait.ge [sflag:s17], $0x3400  }
0xd1: {  	[sflag:s17] =	ssyncset.done $0x0  }
0xd2: {  	[sflag:s17] =	ssyncadd.s32 $0xFFFFCC00  }
0xd3: {  	_ =	swait.ge [sflag:s17], $0x3000  }
0xd4: {  	[sflag:s17] =	ssyncset.done $0x0  }
0xd5: {  	s26 =	simm.s32 $0x0;
	[sflag:s17] =	ssyncadd.s32 $0xFFFFD000  }
0xd6: {  	v0 =	vld [tilespmem:s26+$0x6800]  }
0xd7: {  	v1 =	vld [tilespmem:s26+$0x19400]  }
0xd8: {  	v2 =	vld [tilespmem:s26+$0x6810]  }
0xd9: {  	v3 =	vld [tilespmem:s26+$0x19410]  }
0xda: {  	v4 =	vld [tilespmem:s26+$0x6820]  }
0xdb: {  	v5 =	vld [tilespmem:s26+$0x19420]  }
0xdc: {  	v6 =	vld [tilespmem:s26+$0x19430]  }
0xdd: {  	v7 =	vld [tilespmem:s26+$0x69F0]  }
0xde: {  	v8 =	vld [tilespmem:s26+$0x195F0]  }
0xdf: {  	v9 =	vld [tilespmem:s26+$0x19460]  }
0xe0: {  	v10 =	vld [tilespmem:s26+$0x6880]  }
0xe1: {  	v11 =	vld [tilespmem:s26+$0x19480]  }
0xe2: {  	v12 =	vld [tilespmem:s26+$0x6890]  }
0xe3: {  	v13 =	vld [tilespmem:s26+$0x19490]  }
0xe4: {  	v14 =	vld [tilespmem:s26+$0x68A0]  }
0xe5: {  	v45 =	vld [tilespmem:s26+$0x68B0]  }
0xe6: {  	v15 =	vld [tilespmem:s26+$0x6870]  }
0xe7: {  	v47 =	vld [tilespmem:s26+$0x68C0]  }
0xe8: {  	v48 =	vld [tilespmem:s26+$0x194C0]  }
0xe9: {  	v16 =	vld [tilespmem:s26+$0x19470]  }
0xea: {  	v49 =	vld [tilespmem:s26+$0x68D0]  }
0xeb: {  	v17 =	vld [tilespmem:s26+$0x194D0]  }
0xec: {  	v18 =	vld [tilespmem:s26+$0x6900]  }
0xed: {  	v19 =	vld [tilespmem:s26+$0x19500]  }
0xee: {  	v20 =	vld [tilespmem:s26+$0x6910]  }
0xef: {  	v21 =	vld [tilespmem:s26+$0x19510]  }
0xf0: {  	v22 =	vld [tilespmem:s26+$0x6920]  }
0xf1: {  	v50 =	vld [tilespmem:s26+$0x19520]  }
0xf2: {  	v51 =	vld [tilespmem:s26+$0x6930]  }
0xf3: {  	v23 =	vld [tilespmem:s26+$0x68E0]  }
0xf4: {  	v53 =	vld [tilespmem:s26+$0x6940]  }
0xf5: {  	v0 =	vadd.f32 v1, v0;
	v1 =	vld [tilespmem:s26+$0x6830]  }
0xf6: {  	v54 =	vld [tilespmem:s26+$0x19540]  }
0xf7: {  	v55 =	vld [tilespmem:s26+$0x194E0]  }
0xf8: {  	v56 =	vld [tilespmem:s26+$0x6950];
	v10 =	vadd.f32 v11, v10  }
0xf9: {  	v46 =	vadd.f32 v13, v12;
	[tilespmem:s26+$0x6800] =	vst v0;
	v0 =	vadd.f32 v3, v2;
	v2 =	vld [tilespmem:s26+$0x6840]  }
0xfa: {  	[tilespmem:s26+$0x6880] =	vst v10;
	v1 =	vadd.f32 v6, v1;
	v6 =	vld [tilespmem:s26+$0x194A0]  }
0xfb: {  	v18 =	vadd.f32 v19, v18;
	v3 =	vld [tilespmem:s26+$0x19440];
	[tilespmem:s26+$0x6890] =	vst v46  }
0xfc: {  	v52 =	vadd.f32 v21, v20;
	[tilespmem:s26+$0x6810] =	vst v0;
	v0 =	vadd.f32 v5, v4;
	v4 =	vld [tilespmem:s26+$0x6850]  }
0xfd: {  	[tilespmem:s26+$0x6900] =	vst v18;
	v5 =	vld [tilespmem:s26+$0x19450]  }
0xfe: {  	v57 =	vld [tilespmem:s26+$0x68F0];
	v7 =	vadd.f32 v8, v7;
	[tilespmem:s26+$0x6910] =	vst v52  }
0xff: {  	[tilespmem:s26+$0x6820] =	vst v0;
	v0 =	vld [tilespmem:s26+$0x6860];
	v6 =	vadd.f32 v6, v14  }
0x100: {  	v58 =	vld [tilespmem:s26+$0x6960];
	[tilespmem:s26+$0x69F0] =	vst v7  }
0x101: {  	v2 =	vadd.f32 v3, v2;
	[tilespmem:s26+$0x68A0] =	vst v6;
	v6 =	vld [tilespmem:s26+$0x19530]  }
0x102: {  	[tilespmem:s26+$0x6830] =	vst v1;
	v1 =	vld [tilespmem:s26+$0x194B0];
	v4 =	vadd.f32 v5, v4  }
0x103: {  	v59 =	vld [tilespmem:s26+$0x19560];
	[tilespmem:s26+$0x6840] =	vst v2;
	v14 =	vadd.f32 v50, v22  }
0x104: {  	v5 =	vld [tilespmem:s26+$0x6980];
	v0 =	vadd.f32 v9, v0;
	[tilespmem:s26+$0x6850] =	vst v4  }
0x105: {  	v2 =	vld [tilespmem:s26+$0x19580];
	v4 =	vadd.f32 v16, v15;
	[tilespmem:s26+$0x6920] =	vst v14  }
0x106: {  	v60 =	vld [tilespmem:s26+$0x19590];
	[tilespmem:s26+$0x6860] =	vst v0;
	v6 =	vadd.f32 v6, v51  }
0x107: {  	v7 =	vld [tilespmem:s26+$0x6990];
	v1 =	vadd.f32 v1, v45;
	[tilespmem:s26+$0x6870] =	vst v4  }
0x108: {  	v0 =	vadd.f32 v48, v47;
	[tilespmem:s26+$0x6930] =	vst v6;
	v6 =	vld [tilespmem:s26+$0x194F0]  }
0x109: {  	v61 =	vld [tilespmem:s26+$0x69A0];
	v4 =	vadd.f32 v17, v49;
	[tilespmem:s26+$0x68B0] =	vst v1  }
0x10a: {  	v63 =	vld [tilespmem:s26+$0x19570];
	v2 =	vadd.f32 v2, v5;
	[tilespmem:s26+$0x68C0] =	vst v0  }
0x10b: {  	v1 =	vld [tilespmem:s26+$0x19550];
	v0 =	vadd.f32 v55, v23;
	[tilespmem:s26+$0x68D0] =	vst v4  }
0x10c: {  	v3 =	vld [tilespmem:s26+$0x6970];
	[tilespmem:s26+$0x6980] =	vst v2;
	v2 =	vadd.f32 v60, v7  }
0x10d: {  	v62 =	vld [tilespmem:s26+$0x195A0];
	[tilespmem:s26+$0x68E0] =	vst v0;
	v0 =	vadd.f32 v6, v57  }
0x10e: {  	v5 =	vld [tilespmem:s26+$0x195B0];
	[tilespmem:s26+$0x6990] =	vst v2;
	v6 =	vadd.f32 v54, v53  }
0x10f: {  	v4 =	vld [tilespmem:s26+$0x69B0];
	v7 =	vadd.f32 v59, v58;
	[tilespmem:s26+$0x68F0] =	vst v0  }
0x110: {  	v0 =	vld [tilespmem:s26+$0x69C0];
	[tilespmem:s26+$0x6940] =	vst v6;
	v6 =	vadd.f32 v1, v56  }
0x111: {  	[tilespmem:s26+$0x6960] =	vst v7;
	v7 =	vadd.f32 v63, v3;
	v1 =	vld [tilespmem:s26+$0x195C0]  }
0x112: {  	v2 =	vld [tilespmem:s26+$0x69D0];
	[tilespmem:s26+$0x6950] =	vst v6;
	v6 =	vadd.f32 v62, v61  }
0x113: {  	v3 =	vld [tilespmem:s26+$0x195D0];
	[tilespmem:s26+$0x6970] =	vst v7  }
0x114: {  	s9 =	simm.s32 $0x0;
	s10 =	simm.s32 $0x800;
	v5 =	vadd.f32 v5, v4;
	v4 =	vld [tilespmem:s26+$0x69E0];
	[tilespmem:s26+$0x69A0] =	vst v6  }
.LBB2_5:
0x115: {  	s21 =	sshra.s32 s10, $0x2;
	v6 =	vld [tilespmem:s26+$0x195E0]  }
0x116: {  	s9 =	sadd.s32 $0x4, s9;
	v7 =	vld [tilespmem:s21+$0x69F0];
	[tilespmem:s26+$0x69B0] =	vst v5;
	v0 =	vadd.f32 v1, v0  }
0x117: {  	p1 =	slt.u32 s9, $0xC4;
	v1 =	vld [tilespmem:s21+$0x195F0]  }
0x118: {  	v5 =	vld [tilespmem:s21+$0x6800];
	[tilespmem:s26+$0x69C0] =	vst v0;
	v0 =	vadd.f32 v3, v2  }
0x119: {  	v2 =	vld [tilespmem:s21+$0x19400]  }
0x11a: {  	v3 =	vld [tilespmem:s21+$0x6810];
	[tilespmem:s26+$0x69D0] =	vst v0;
	v0 =	vadd.f32 v6, v4  }
0x11b: {  	v4 =	vld [tilespmem:s21+$0x19410]  }
0x11c: {  	v6 =	vld [tilespmem:s21+$0x6820];
	v1 =	vadd.f32 v1, v7;
	[tilespmem:s26+$0x69E0] =	vst v0;
	s26 =	smov.u32 s21  }
0x11d: {  	v0 =	vld [tilespmem:s26+$0x19420]  }
0x11e: {  	v2 =	vadd.f32 v2, v5;
	v5 =	vld [tilespmem:s26+$0x6830];
	[tilespmem:s26+$0x69F0] =	vst v1  }
0x11f: {  	v1 =	vld [tilespmem:s26+$0x19430]  }
0x120: {  	[tilespmem:s26+$0x6800] =	vst v2;
	v2 =	vadd.f32 v4, v3;
	v3 =	vld [tilespmem:s26+$0x6840]  }
0x121: {  	v4 =	vld [tilespmem:s26+$0x19440]  }
0x122: {  	[tilespmem:s26+$0x6810] =	vst v2;
	v0 =	vadd.f32 v0, v6;
	v2 =	vld [tilespmem:s26+$0x6850]  }
0x123: {  	v6 =	vld [tilespmem:s26+$0x19450]  }
0x124: {  	[tilespmem:s26+$0x6820] =	vst v0;
	v0 =	vadd.f32 v1, v5;
	v1 =	vld [tilespmem:s26+$0x6860]  }
0x125: {  	v5 =	vld [tilespmem:s26+$0x19460]  }
0x126: {  	[tilespmem:s26+$0x6830] =	vst v0;
	v0 =	vadd.f32 v4, v3;
	v3 =	vld [tilespmem:s26+$0x6870]  }
0x127: {  	v4 =	vld [tilespmem:s26+$0x19470]  }
0x128: {  	[tilespmem:s26+$0x6840] =	vst v0;
	v0 =	vadd.f32 v6, v2;
	v2 =	vld [tilespmem:s26+$0x6880]  }
0x129: {  	v6 =	vld [tilespmem:s26+$0x19480]  }
0x12a: {  	[tilespmem:s26+$0x6850] =	vst v0;
	v0 =	vadd.f32 v5, v1;
	v1 =	vld [tilespmem:s26+$0x6890]  }
0x12b: {  	v5 =	vld [tilespmem:s26+$0x19490]  }
0x12c: {  	[tilespmem:s26+$0x6860] =	vst v0;
	v0 =	vadd.f32 v4, v3;
	v3 =	vld [tilespmem:s26+$0x68A0]  }
0x12d: {  	v4 =	vld [tilespmem:s26+$0x194A0]  }
0x12e: {  	[tilespmem:s26+$0x6870] =	vst v0;
	v0 =	vadd.f32 v6, v2;
	v2 =	vld [tilespmem:s26+$0x68B0]  }
0x12f: {  	v6 =	vld [tilespmem:s26+$0x194B0]  }
0x130: {  	[tilespmem:s26+$0x6880] =	vst v0;
	v0 =	vadd.f32 v5, v1;
	v1 =	vld [tilespmem:s26+$0x68C0]  }
0x131: {  	v5 =	vld [tilespmem:s26+$0x194C0]  }
0x132: {  	[tilespmem:s26+$0x6890] =	vst v0;
	v0 =	vadd.f32 v4, v3;
	v3 =	vld [tilespmem:s26+$0x68D0]  }
0x133: {  	v4 =	vld [tilespmem:s26+$0x194D0]  }
0x134: {  	[tilespmem:s26+$0x68A0] =	vst v0;
	v0 =	vadd.f32 v6, v2;
	v2 =	vld [tilespmem:s26+$0x68E0]  }
0x135: {  	v6 =	vld [tilespmem:s26+$0x194E0]  }
0x136: {  	[tilespmem:s26+$0x68B0] =	vst v0;
	v0 =	vadd.f32 v5, v1;
	v1 =	vld [tilespmem:s26+$0x68F0]  }
0x137: {  	v5 =	vld [tilespmem:s26+$0x194F0]  }
0x138: {  	[tilespmem:s26+$0x68C0] =	vst v0;
	v0 =	vadd.f32 v4, v3;
	v3 =	vld [tilespmem:s26+$0x6900]  }
0x139: {  	v4 =	vld [tilespmem:s26+$0x19500]  }
0x13a: {  	[tilespmem:s26+$0x68D0] =	vst v0;
	v0 =	vadd.f32 v6, v2;
	v2 =	vld [tilespmem:s26+$0x6910]  }
0x13b: {  	v6 =	vld [tilespmem:s26+$0x19510]  }
0x13c: {  	[tilespmem:s26+$0x68E0] =	vst v0;
	v0 =	vadd.f32 v5, v1;
	v1 =	vld [tilespmem:s26+$0x6920]  }
0x13d: {  	v5 =	vld [tilespmem:s26+$0x19520]  }
0x13e: {  	[tilespmem:s26+$0x68F0] =	vst v0;
	v0 =	vadd.f32 v4, v3;
	v3 =	vld [tilespmem:s26+$0x6930]  }
0x13f: {  	v4 =	vld [tilespmem:s26+$0x19530]  }
0x140: {  	[tilespmem:s26+$0x6900] =	vst v0;
	v0 =	vadd.f32 v6, v2;
	v2 =	vld [tilespmem:s26+$0x6940]  }
0x141: {  	v6 =	vld [tilespmem:s26+$0x19540]  }
0x142: {  	[tilespmem:s26+$0x6910] =	vst v0;
	v0 =	vadd.f32 v5, v1;
	v1 =	vld [tilespmem:s26+$0x6950]  }
0x143: {  	v5 =	vld [tilespmem:s26+$0x19550]  }
0x144: {  	[tilespmem:s26+$0x6920] =	vst v0;
	v0 =	vadd.f32 v4, v3;
	v3 =	vld [tilespmem:s26+$0x6960]  }
0x145: {  	v4 =	vld [tilespmem:s26+$0x19560]  }
0x146: {  	[tilespmem:s26+$0x6930] =	vst v0;
	v0 =	vadd.f32 v6, v2;
	v2 =	vld [tilespmem:s26+$0x6970]  }
0x147: {  	v6 =	vld [tilespmem:s26+$0x19570]  }
0x148: {  	[tilespmem:s26+$0x6940] =	vst v0;
	v0 =	vadd.f32 v5, v1;
	v1 =	vld [tilespmem:s26+$0x6980]  }
0x149: {  	v5 =	vld [tilespmem:s26+$0x19580]  }
0x14a: {  	[tilespmem:s26+$0x6950] =	vst v0;
	v0 =	vadd.f32 v4, v3;
	v3 =	vld [tilespmem:s26+$0x6990]  }
0x14b: {  	v4 =	vld [tilespmem:s26+$0x19590]  }
0x14c: {  	[tilespmem:s26+$0x6960] =	vst v0;
	v0 =	vadd.f32 v6, v2;
	v2 =	vld [tilespmem:s26+$0x69A0]  }
0x14d: {  	v6 =	vld [tilespmem:s26+$0x195A0]  }
0x14e: {  	[tilespmem:s26+$0x6970] =	vst v0;
	v0 =	vadd.f32 v5, v1;
	v5 =	vld [tilespmem:s26+$0x69B0]  }
0x14f: {  	v7 =	vld [tilespmem:s26+$0x195B0]  }
.Ltmp1:
0x150: {  	[tilespmem:s26+$0x6980] =	vst v0;
	v3 =	vadd.f32 v4, v3;
	v0 =	vld [tilespmem:s26+$0x69C0];
	(pc) =	sbr.rel @p1 .LBB2_5-.Ltmp1, $4  }
0x151: {  	v1 =	vld [tilespmem:s26+$0x195C0]  }
0x152: {  	[tilespmem:s26+$0x6990] =	vst v3;
	v4 =	vadd.f32 v6, v2;
	v2 =	vld [tilespmem:s26+$0x69D0]  }
0x153: {  	v3 =	vld [tilespmem:s26+$0x195D0]  }
0x154: {  	s10 =	sadd.s32 $0x800, s10;
	[tilespmem:s26+$0x69A0] =	vst v4;
	v5 =	vadd.f32 v7, v5;
	v4 =	vld [tilespmem:s26+$0x69E0]  }
0x155: {  	v6 =	vld [tilespmem:s26+$0x195E0];
	_ =	sdelay $0x2  }
0x156: {  	v0 =	vadd.f32 v1, v0  }
0x157: {  	[tilespmem:s26+$0x69B0] =	vst v5;
	v1 =	vadd.f32 v3, v2  }
0x158: {  	s9 =	sadd.s32 s18, s13;
	[tilespmem:s26+$0x69C0] =	vst v0;
	v0 =	vadd.f32 v6, v4  }
0x159: {  	s9 =	sshll.u32 s9, $0x4;
	[tilespmem:s26+$0x69D0] =	vst v1  }
0x15a: {  	s9 =	sadd.s32 s3, s9;
	[tilespmem:s26+$0x69E0] =	vst v0  }
0x15b: {  	[hbm4b:s9+s4] =	stream.linear.scatter [tilespmem:s29], [sflag:$0xA], $0x6400, $0x38;
	[tilespmem:$0x1F800] =	vst v63  }
0x15c: {  	s9 =	simm.s32 @!p0 $0x9  }
0x15d: {  	_ =	swait.ge @!p0 [sflag:s9], $0x6400  }
0x15e: {  	[sflag:s9] =	ssyncset.done @!p0 $0x0  }
0x15f: {  	[sflag:s9] =	ssyncadd.s32 @!p0 $0xFFFF9C00;
	s9 =	simm.s32 @!p0 $0x1  }
0x160: {  	_ =	swait.ge @!p0 [sflag:s9], $0xC8  }
0x161: {  	s10 =	simm.s32 @!p0 $0x0;
	[sflag:s9] =	ssyncset.done @!p0 $0x0  }
0x162: {  	s21 =	simm.s32 @!p0 $0x400;
	[sflag:s9] =	ssyncadd.s32 @!p0 $0xFFFFFF38;
	s9 =	simm.s32 @!p0 $0x68  }
0x163: {  	[tilespmem:s21], [sflag:$0x5] =	stream.indirect.gather @!p0 [hbm4b:s2+s9], $0x80, s10, s9, $0xb8;
	[tilespmem:$0x1F800] =	vst v63  }
0x164: {  	s26 =	simm.s32 @!p0 $0x3800;
	s21 =	simm.s32 @!p0 $0x60  }
0x165: {  	[tilespmem:s26], [sflag:$0x5] =	stream.indirect.gather @!p0 [hbm4b:s2+s21], $0x80, s9, s21, $0xb8;
	[tilespmem:$0x1F800] =	vst v63  }
0x166: {  	s9 =	sadd.s32 @!p0 s18, s14  }
0x167: {  	s9 =	sshrl.u32 @!p0 s9, $0x3  }
0x168: {  	s21 =	simm.s32 @!p0 $0x100;
	s9 =	sadd.s32 @!p0 s6, s9  }
0x169: {  	[tilespmem:s21], [sflag:$0x2] =	stream.linear.gather @!p0 [hbm4b:s9+s10], $0xC8, $0x38;
	[tilespmem:$0x1F800] =	vst v63  }
0x16a: {  	_ =	swait.ge [sflag:s7], $0x3400  }
0x16b: {  	[sflag:s7] =	ssyncset.done $0x0  }
0x16c: {  	[sflag:s7] =	ssyncadd.s32 $0xFFFFCC00  }
0x16d: {  	_ =	swait.ge [sflag:s7], $0x3000  }
0x16e: {  	[sflag:s7] =	ssyncset.done $0x0  }
0x16f: {  	s26 =	simm.s32 $0x0;
	[sflag:s7] =	ssyncadd.s32 $0xFFFFD000  }
0x170: {  	v0 =	vld [tilespmem:s26+$0xCC00]  }
0x171: {  	v1 =	vld [tilespmem:s26+$0x19400]  }
0x172: {  	v2 =	vld [tilespmem:s26+$0xCC10]  }
0x173: {  	v3 =	vld [tilespmem:s26+$0x19410]  }
0x174: {  	v4 =	vld [tilespmem:s26+$0xCC20]  }
0x175: {  	v5 =	vld [tilespmem:s26+$0x19420]  }
0x176: {  	v6 =	vld [tilespmem:s26+$0x19430]  }
0x177: {  	v7 =	vld [tilespmem:s26+$0xCDF0]  }
0x178: {  	v8 =	vld [tilespmem:s26+$0x195F0]  }
0x179: {  	v9 =	vld [tilespmem:s26+$0x19460]  }
0x17a: {  	v10 =	vld [tilespmem:s26+$0xCC80]  }
0x17b: {  	v11 =	vld [tilespmem:s26+$0x19480]  }
0x17c: {  	v12 =	vld [tilespmem:s26+$0xCC90]  }
0x17d: {  	v13 =	vld [tilespmem:s26+$0x19490]  }
0x17e: {  	v14 =	vld [tilespmem:s26+$0xCCA0]  }
0x17f: {  	v45 =	vld [tilespmem:s26+$0xCCB0]  }
0x180: {  	v15 =	vld [tilespmem:s26+$0xCC70]  }
0x181: {  	v47 =	vld [tilespmem:s26+$0xCCC0]  }
0x182: {  	v48 =	vld [tilespmem:s26+$0x194C0]  }
0x183: {  	v16 =	vld [tilespmem:s26+$0x19470]  }
0x184: {  	v49 =	vld [tilespmem:s26+$0xCCD0]  }
0x185: {  	v17 =	vld [tilespmem:s26+$0x194D0]  }
0x186: {  	v18 =	vld [tilespmem:s26+$0xCD00]  }
0x187: {  	v19 =	vld [tilespmem:s26+$0x19500]  }
0x188: {  	v20 =	vld [tilespmem:s26+$0xCD10]  }
0x189: {  	v21 =	vld [tilespmem:s26+$0x19510]  }
0x18a: {  	v22 =	vld [tilespmem:s26+$0xCD20]  }
0x18b: {  	v50 =	vld [tilespmem:s26+$0x19520]  }
0x18c: {  	v51 =	vld [tilespmem:s26+$0xCD30]  }
0x18d: {  	v23 =	vld [tilespmem:s26+$0xCCE0]  }
0x18e: {  	v53 =	vld [tilespmem:s26+$0xCD40]  }
0x18f: {  	v0 =	vadd.f32 v1, v0;
	v1 =	vld [tilespmem:s26+$0xCC30]  }
0x190: {  	v54 =	vld [tilespmem:s26+$0x19540]  }
0x191: {  	v55 =	vld [tilespmem:s26+$0x194E0]  }
0x192: {  	v56 =	vld [tilespmem:s26+$0xCD50];
	v10 =	vadd.f32 v11, v10  }
0x193: {  	v46 =	vadd.f32 v13, v12;
	[tilespmem:s26+$0xCC00] =	vst v0;
	v0 =	vadd.f32 v3, v2;
	v2 =	vld [tilespmem:s26+$0xCC40]  }
0x194: {  	[tilespmem:s26+$0xCC80] =	vst v10;
	v1 =	vadd.f32 v6, v1;
	v6 =	vld [tilespmem:s26+$0x194A0]  }
0x195: {  	v18 =	vadd.f32 v19, v18;
	v3 =	vld [tilespmem:s26+$0x19440];
	[tilespmem:s26+$0xCC90] =	vst v46  }
0x196: {  	v52 =	vadd.f32 v21, v20;
	[tilespmem:s26+$0xCC10] =	vst v0;
	v0 =	vadd.f32 v5, v4;
	v4 =	vld [tilespmem:s26+$0xCC50]  }
0x197: {  	[tilespmem:s26+$0xCD00] =	vst v18;
	v5 =	vld [tilespmem:s26+$0x19450]  }
0x198: {  	v57 =	vld [tilespmem:s26+$0xCCF0];
	v7 =	vadd.f32 v8, v7;
	[tilespmem:s26+$0xCD10] =	vst v52  }
0x199: {  	[tilespmem:s26+$0xCC20] =	vst v0;
	v0 =	vld [tilespmem:s26+$0xCC60];
	v6 =	vadd.f32 v6, v14  }
0x19a: {  	v58 =	vld [tilespmem:s26+$0xCD60];
	[tilespmem:s26+$0xCDF0] =	vst v7  }
0x19b: {  	v2 =	vadd.f32 v3, v2;
	[tilespmem:s26+$0xCCA0] =	vst v6;
	v6 =	vld [tilespmem:s26+$0x19530]  }
0x19c: {  	[tilespmem:s26+$0xCC30] =	vst v1;
	v1 =	vld [tilespmem:s26+$0x194B0];
	v4 =	vadd.f32 v5, v4  }
0x19d: {  	v59 =	vld [tilespmem:s26+$0x19560];
	[tilespmem:s26+$0xCC40] =	vst v2;
	v14 =	vadd.f32 v50, v22  }
0x19e: {  	v5 =	vld [tilespmem:s26+$0xCD80];
	v0 =	vadd.f32 v9, v0;
	[tilespmem:s26+$0xCC50] =	vst v4  }
0x19f: {  	v2 =	vld [tilespmem:s26+$0x19580];
	v4 =	vadd.f32 v16, v15;
	[tilespmem:s26+$0xCD20] =	vst v14  }
0x1a0: {  	v60 =	vld [tilespmem:s26+$0x19590];
	[tilespmem:s26+$0xCC60] =	vst v0;
	v6 =	vadd.f32 v6, v51  }
0x1a1: {  	v7 =	vld [tilespmem:s26+$0xCD90];
	v1 =	vadd.f32 v1, v45;
	[tilespmem:s26+$0xCC70] =	vst v4  }
0x1a2: {  	v0 =	vadd.f32 v48, v47;
	[tilespmem:s26+$0xCD30] =	vst v6;
	v6 =	vld [tilespmem:s26+$0x194F0]  }
0x1a3: {  	v61 =	vld [tilespmem:s26+$0xCDA0];
	v4 =	vadd.f32 v17, v49;
	[tilespmem:s26+$0xCCB0] =	vst v1  }
0x1a4: {  	v63 =	vld [tilespmem:s26+$0x19570];
	v2 =	vadd.f32 v2, v5;
	[tilespmem:s26+$0xCCC0] =	vst v0  }
0x1a5: {  	v1 =	vld [tilespmem:s26+$0x19550];
	v0 =	vadd.f32 v55, v23;
	[tilespmem:s26+$0xCCD0] =	vst v4  }
0x1a6: {  	v3 =	vld [tilespmem:s26+$0xCD70];
	[tilespmem:s26+$0xCD80] =	vst v2;
	v2 =	vadd.f32 v60, v7  }
0x1a7: {  	v62 =	vld [tilespmem:s26+$0x195A0];
	[tilespmem:s26+$0xCCE0] =	vst v0;
	v0 =	vadd.f32 v6, v57  }
0x1a8: {  	v5 =	vld [tilespmem:s26+$0x195B0];
	[tilespmem:s26+$0xCD90] =	vst v2;
	v6 =	vadd.f32 v54, v53  }
0x1a9: {  	v4 =	vld [tilespmem:s26+$0xCDB0];
	v7 =	vadd.f32 v59, v58;
	[tilespmem:s26+$0xCCF0] =	vst v0  }
0x1aa: {  	v0 =	vld [tilespmem:s26+$0xCDC0];
	[tilespmem:s26+$0xCD40] =	vst v6;
	v6 =	vadd.f32 v1, v56  }
0x1ab: {  	[tilespmem:s26+$0xCD60] =	vst v7;
	v7 =	vadd.f32 v63, v3;
	v1 =	vld [tilespmem:s26+$0x195C0]  }
0x1ac: {  	v2 =	vld [tilespmem:s26+$0xCDD0];
	[tilespmem:s26+$0xCD50] =	vst v6;
	v6 =	vadd.f32 v62, v61  }
0x1ad: {  	v3 =	vld [tilespmem:s26+$0x195D0];
	[tilespmem:s26+$0xCD70] =	vst v7  }
0x1ae: {  	s9 =	simm.s32 $0x0;
	s10 =	simm.s32 $0x800;
	v5 =	vadd.f32 v5, v4;
	v4 =	vld [tilespmem:s26+$0xCDE0];
	[tilespmem:s26+$0xCDA0] =	vst v6  }
.LBB2_7:
0x1af: {  	s21 =	sshra.s32 s10, $0x2;
	v6 =	vld [tilespmem:s26+$0x195E0]  }
0x1b0: {  	s9 =	sadd.s32 $0x4, s9;
	v7 =	vld [tilespmem:s21+$0xCDF0];
	[tilespmem:s26+$0xCDB0] =	vst v5;
	v0 =	vadd.f32 v1, v0  }
0x1b1: {  	p1 =	slt.u32 s9, $0xC4;
	v1 =	vld [tilespmem:s21+$0x195F0]  }
0x1b2: {  	v5 =	vld [tilespmem:s21+$0xCC00];
	[tilespmem:s26+$0xCDC0] =	vst v0;
	v0 =	vadd.f32 v3, v2  }
0x1b3: {  	v2 =	vld [tilespmem:s21+$0x19400]  }
0x1b4: {  	v3 =	vld [tilespmem:s21+$0xCC10];
	[tilespmem:s26+$0xCDD0] =	vst v0;
	v0 =	vadd.f32 v6, v4  }
0x1b5: {  	v4 =	vld [tilespmem:s21+$0x19410]  }
0x1b6: {  	v6 =	vld [tilespmem:s21+$0xCC20];
	v1 =	vadd.f32 v1, v7;
	[tilespmem:s26+$0xCDE0] =	vst v0;
	s26 =	smov.u32 s21  }
0x1b7: {  	v0 =	vld [tilespmem:s26+$0x19420]  }
0x1b8: {  	v2 =	vadd.f32 v2, v5;
	v5 =	vld [tilespmem:s26+$0xCC30];
	[tilespmem:s26+$0xCDF0] =	vst v1  }
0x1b9: {  	v1 =	vld [tilespmem:s26+$0x19430]  }
0x1ba: {  	[tilespmem:s26+$0xCC00] =	vst v2;
	v2 =	vadd.f32 v4, v3;
	v3 =	vld [tilespmem:s26+$0xCC40]  }
0x1bb: {  	v4 =	vld [tilespmem:s26+$0x19440]  }
0x1bc: {  	[tilespmem:s26+$0xCC10] =	vst v2;
	v0 =	vadd.f32 v0, v6;
	v2 =	vld [tilespmem:s26+$0xCC50]  }
0x1bd: {  	v6 =	vld [tilespmem:s26+$0x19450]  }
0x1be: {  	[tilespmem:s26+$0xCC20] =	vst v0;
	v0 =	vadd.f32 v1, v5;
	v1 =	vld [tilespmem:s26+$0xCC60]  }
0x1bf: {  	v5 =	vld [tilespmem:s26+$0x19460]  }
0x1c0: {  	[tilespmem:s26+$0xCC30] =	vst v0;
	v0 =	vadd.f32 v4, v3;
	v3 =	vld [tilespmem:s26+$0xCC70]  }
0x1c1: {  	v4 =	vld [tilespmem:s26+$0x19470]  }
0x1c2: {  	[tilespmem:s26+$0xCC40] =	vst v0;
	v0 =	vadd.f32 v6, v2;
	v2 =	vld [tilespmem:s26+$0xCC80]  }
0x1c3: {  	v6 =	vld [tilespmem:s26+$0x19480]  }
0x1c4: {  	[tilespmem:s26+$0xCC50] =	vst v0;
	v0 =	vadd.f32 v5, v1;
	v1 =	vld [tilespmem:s26+$0xCC90]  }
0x1c5: {  	v5 =	vld [tilespmem:s26+$0x19490]  }
0x1c6: {  	[tilespmem:s26+$0xCC60] =	vst v0;
	v0 =	vadd.f32 v4, v3;
	v3 =	vld [tilespmem:s26+$0xCCA0]  }
0x1c7: {  	v4 =	vld [tilespmem:s26+$0x194A0]  }
0x1c8: {  	[tilespmem:s26+$0xCC70] =	vst v0;
	v0 =	vadd.f32 v6, v2;
	v2 =	vld [tilespmem:s26+$0xCCB0]  }
0x1c9: {  	v6 =	vld [tilespmem:s26+$0x194B0]  }
0x1ca: {  	[tilespmem:s26+$0xCC80] =	vst v0;
	v0 =	vadd.f32 v5, v1;
	v1 =	vld [tilespmem:s26+$0xCCC0]  }
0x1cb: {  	v5 =	vld [tilespmem:s26+$0x194C0]  }
0x1cc: {  	[tilespmem:s26+$0xCC90] =	vst v0;
	v0 =	vadd.f32 v4, v3;
	v3 =	vld [tilespmem:s26+$0xCCD0]  }
0x1cd: {  	v4 =	vld [tilespmem:s26+$0x194D0]  }
0x1ce: {  	[tilespmem:s26+$0xCCA0] =	vst v0;
	v0 =	vadd.f32 v6, v2;
	v2 =	vld [tilespmem:s26+$0xCCE0]  }
0x1cf: {  	v6 =	vld [tilespmem:s26+$0x194E0]  }
0x1d0: {  	[tilespmem:s26+$0xCCB0] =	vst v0;
	v0 =	vadd.f32 v5, v1;
	v1 =	vld [tilespmem:s26+$0xCCF0]  }
0x1d1: {  	v5 =	vld [tilespmem:s26+$0x194F0]  }
0x1d2: {  	[tilespmem:s26+$0xCCC0] =	vst v0;
	v0 =	vadd.f32 v4, v3;
	v3 =	vld [tilespmem:s26+$0xCD00]  }
0x1d3: {  	v4 =	vld [tilespmem:s26+$0x19500]  }
0x1d4: {  	[tilespmem:s26+$0xCCD0] =	vst v0;
	v0 =	vadd.f32 v6, v2;
	v2 =	vld [tilespmem:s26+$0xCD10]  }
0x1d5: {  	v6 =	vld [tilespmem:s26+$0x19510]  }
0x1d6: {  	[tilespmem:s26+$0xCCE0] =	vst v0;
	v0 =	vadd.f32 v5, v1;
	v1 =	vld [tilespmem:s26+$0xCD20]  }
0x1d7: {  	v5 =	vld [tilespmem:s26+$0x19520]  }
0x1d8: {  	[tilespmem:s26+$0xCCF0] =	vst v0;
	v0 =	vadd.f32 v4, v3;
	v3 =	vld [tilespmem:s26+$0xCD30]  }
0x1d9: {  	v4 =	vld [tilespmem:s26+$0x19530]  }
0x1da: {  	[tilespmem:s26+$0xCD00] =	vst v0;
	v0 =	vadd.f32 v6, v2;
	v2 =	vld [tilespmem:s26+$0xCD40]  }
0x1db: {  	v6 =	vld [tilespmem:s26+$0x19540]  }
0x1dc: {  	[tilespmem:s26+$0xCD10] =	vst v0;
	v0 =	vadd.f32 v5, v1;
	v1 =	vld [tilespmem:s26+$0xCD50]  }
0x1dd: {  	v5 =	vld [tilespmem:s26+$0x19550]  }
0x1de: {  	[tilespmem:s26+$0xCD20] =	vst v0;
	v0 =	vadd.f32 v4, v3;
	v3 =	vld [tilespmem:s26+$0xCD60]  }
0x1df: {  	v4 =	vld [tilespmem:s26+$0x19560]  }
0x1e0: {  	[tilespmem:s26+$0xCD30] =	vst v0;
	v0 =	vadd.f32 v6, v2;
	v2 =	vld [tilespmem:s26+$0xCD70]  }
0x1e1: {  	v6 =	vld [tilespmem:s26+$0x19570]  }
0x1e2: {  	[tilespmem:s26+$0xCD40] =	vst v0;
	v0 =	vadd.f32 v5, v1;
	v1 =	vld [tilespmem:s26+$0xCD80]  }
0x1e3: {  	v5 =	vld [tilespmem:s26+$0x19580]  }
0x1e4: {  	[tilespmem:s26+$0xCD50] =	vst v0;
	v0 =	vadd.f32 v4, v3;
	v3 =	vld [tilespmem:s26+$0xCD90]  }
0x1e5: {  	v4 =	vld [tilespmem:s26+$0x19590]  }
0x1e6: {  	[tilespmem:s26+$0xCD60] =	vst v0;
	v0 =	vadd.f32 v6, v2;
	v2 =	vld [tilespmem:s26+$0xCDA0]  }
0x1e7: {  	v6 =	vld [tilespmem:s26+$0x195A0]  }
0x1e8: {  	[tilespmem:s26+$0xCD70] =	vst v0;
	v0 =	vadd.f32 v5, v1;
	v5 =	vld [tilespmem:s26+$0xCDB0]  }
0x1e9: {  	v7 =	vld [tilespmem:s26+$0x195B0]  }
.Ltmp2:
0x1ea: {  	[tilespmem:s26+$0xCD80] =	vst v0;
	v3 =	vadd.f32 v4, v3;
	v0 =	vld [tilespmem:s26+$0xCDC0];
	(pc) =	sbr.rel @p1 .LBB2_7-.Ltmp2, $4  }
0x1eb: {  	v1 =	vld [tilespmem:s26+$0x195C0]  }
0x1ec: {  	[tilespmem:s26+$0xCD90] =	vst v3;
	v4 =	vadd.f32 v6, v2;
	v2 =	vld [tilespmem:s26+$0xCDD0]  }
0x1ed: {  	v3 =	vld [tilespmem:s26+$0x195D0]  }
0x1ee: {  	s10 =	sadd.s32 $0x800, s10;
	[tilespmem:s26+$0xCDA0] =	vst v4;
	v5 =	vadd.f32 v7, v5;
	v4 =	vld [tilespmem:s26+$0xCDE0]  }
0x1ef: {  	v6 =	vld [tilespmem:s26+$0x195E0];
	_ =	sdelay $0x2  }
0x1f0: {  	v0 =	vadd.f32 v1, v0  }
0x1f1: {  	[tilespmem:s26+$0xCDB0] =	vst v5;
	v1 =	vadd.f32 v3, v2  }
0x1f2: {  	s9 =	sadd.s32 s18, s15;
	[tilespmem:s26+$0xCDC0] =	vst v0;
	v0 =	vadd.f32 v6, v4  }
0x1f3: {  	s9 =	sshll.u32 s9, $0x4;
	[tilespmem:s26+$0xCDD0] =	vst v1  }
0x1f4: {  	s9 =	sadd.s32 s3, s9;
	[tilespmem:s26+$0xCDE0] =	vst v0  }
0x1f5: {  	[hbm4b:s9+s4] =	stream.linear.scatter [tilespmem:s0], [sflag:$0xB], $0x6400, $0x38;
	[tilespmem:$0x1F800] =	vst v63  }
0x1f6: {  	s9 =	simm.s32 @!p0 $0xA  }
0x1f7: {  	_ =	swait.ge @!p0 [sflag:s9], $0x6400  }
0x1f8: {  	[sflag:s9] =	ssyncset.done @!p0 $0x0  }
0x1f9: {  	[sflag:s9] =	ssyncadd.s32 @!p0 $0xFFFF9C00;
	s9 =	simm.s32 @!p0 $0x2  }
0x1fa: {  	_ =	swait.ge @!p0 [sflag:s9], $0xC8  }
0x1fb: {  	s10 =	simm.s32 @!p0 $0x100;
	[sflag:s9] =	ssyncset.done @!p0 $0x0  }
0x1fc: {  	s21 =	simm.s32 @!p0 $0x6800;
	[sflag:s9] =	ssyncadd.s32 @!p0 $0xFFFFFF38;
	s9 =	simm.s32 @!p0 $0x68  }
0x1fd: {  	[tilespmem:s21], [sflag:$0x6] =	stream.indirect.gather @!p0 [hbm4b:s2+s9], $0x80, s10, s9, $0xb8;
	[tilespmem:$0x1F800] =	vst v63  }
0x1fe: {  	s9 =	simm.s32 @!p0 $0x60;
	s10 =	simm.s32 @!p0 $0x168;
	s21 =	simm.s32 @!p0 $0x9C00  }
0x1ff: {  	[tilespmem:s21], [sflag:$0x6] =	stream.indirect.gather @!p0 [hbm4b:s2+s9], $0x80, s10, s9, $0xb8;
	[tilespmem:$0x1F800] =	vst v63  }
0x200: {  	s9 =	sadd.s32 @!p0 s18, s16  }
0x201: {  	s9 =	sshrl.u32 @!p0 s9, $0x3  }
0x202: {  	s10 =	simm.s32 @!p0 $0x0;
	s18 =	simm.s32 @!p0 $0x200;
	s9 =	sadd.s32 @!p0 s6, s9  }
0x203: {  	[tilespmem:s18], [sflag:$0x3] =	stream.linear.gather @!p0 [hbm4b:s9+s10], $0xC8, $0x38;
	[tilespmem:$0x1F800] =	vst v63  }
0x204: {  	_ =	swait.ge [sflag:s19], $0x3400  }
0x205: {  	[sflag:s19] =	ssyncset.done $0x0  }
0x206: {  	[sflag:s19] =	ssyncadd.s32 $0xFFFFCC00  }
0x207: {  	_ =	swait.ge [sflag:s19], $0x3000  }
0x208: {  	[sflag:s19] =	ssyncset.done $0x0  }
0x209: {  	s18 =	simm.s32 $0x0;
	[sflag:s19] =	ssyncadd.s32 $0xFFFFD000  }
0x20a: {  	v0 =	vld [tilespmem:s18+$0x13000]  }
0x20b: {  	v1 =	vld [tilespmem:s18+$0x19400]  }
0x20c: {  	v2 =	vld [tilespmem:s18+$0x13010]  }
0x20d: {  	v3 =	vld [tilespmem:s18+$0x19410]  }
0x20e: {  	v4 =	vld [tilespmem:s18+$0x13020]  }
0x20f: {  	v5 =	vld [tilespmem:s18+$0x19420]  }
0x210: {  	v6 =	vld [tilespmem:s18+$0x19430]  }
0x211: {  	v7 =	vld [tilespmem:s18+$0x131F0]  }
0x212: {  	v8 =	vld [tilespmem:s18+$0x195F0]  }
0x213: {  	v9 =	vld [tilespmem:s18+$0x19460]  }
0x214: {  	v10 =	vld [tilespmem:s18+$0x13080]  }
0x215: {  	v11 =	vld [tilespmem:s18+$0x19480]  }
0x216: {  	v12 =	vld [tilespmem:s18+$0x13090]  }
0x217: {  	v13 =	vld [tilespmem:s18+$0x19490]  }
0x218: {  	v14 =	vld [tilespmem:s18+$0x130A0]  }
0x219: {  	v45 =	vld [tilespmem:s18+$0x130B0]  }
0x21a: {  	v15 =	vld [tilespmem:s18+$0x13070]  }
0x21b: {  	v47 =	vld [tilespmem:s18+$0x130C0]  }
0x21c: {  	v48 =	vld [tilespmem:s18+$0x194C0]  }
0x21d: {  	v16 =	vld [tilespmem:s18+$0x19470]  }
0x21e: {  	v49 =	vld [tilespmem:s18+$0x130D0]  }
0x21f: {  	v17 =	vld [tilespmem:s18+$0x194D0]  }
0x220: {  	v18 =	vld [tilespmem:s18+$0x13100]  }
0x221: {  	v19 =	vld [tilespmem:s18+$0x19500]  }
0x222: {  	v20 =	vld [tilespmem:s18+$0x13110]  }
0x223: {  	v21 =	vld [tilespmem:s18+$0x19510]  }
0x224: {  	v22 =	vld [tilespmem:s18+$0x13120]  }
0x225: {  	v50 =	vld [tilespmem:s18+$0x19520]  }
0x226: {  	v51 =	vld [tilespmem:s18+$0x13130]  }
0x227: {  	v23 =	vld [tilespmem:s18+$0x130E0]  }
0x228: {  	v53 =	vld [tilespmem:s18+$0x13140]  }
0x229: {  	v0 =	vadd.f32 v1, v0;
	v1 =	vld [tilespmem:s18+$0x13030]  }
0x22a: {  	v54 =	vld [tilespmem:s18+$0x19540]  }
0x22b: {  	v55 =	vld [tilespmem:s18+$0x194E0]  }
0x22c: {  	v56 =	vld [tilespmem:s18+$0x13150];
	v10 =	vadd.f32 v11, v10  }
0x22d: {  	v46 =	vadd.f32 v13, v12;
	[tilespmem:s18+$0x13000] =	vst v0;
	v0 =	vadd.f32 v3, v2;
	v2 =	vld [tilespmem:s18+$0x13040]  }
0x22e: {  	[tilespmem:s18+$0x13080] =	vst v10;
	v1 =	vadd.f32 v6, v1;
	v6 =	vld [tilespmem:s18+$0x194A0]  }
0x22f: {  	v18 =	vadd.f32 v19, v18;
	v3 =	vld [tilespmem:s18+$0x19440];
	[tilespmem:s18+$0x13090] =	vst v46  }
0x230: {  	v52 =	vadd.f32 v21, v20;
	[tilespmem:s18+$0x13010] =	vst v0;
	v0 =	vadd.f32 v5, v4;
	v4 =	vld [tilespmem:s18+$0x13050]  }
0x231: {  	[tilespmem:s18+$0x13100] =	vst v18;
	v5 =	vld [tilespmem:s18+$0x19450]  }
0x232: {  	v57 =	vld [tilespmem:s18+$0x130F0];
	v7 =	vadd.f32 v8, v7;
	[tilespmem:s18+$0x13110] =	vst v52  }
0x233: {  	[tilespmem:s18+$0x13020] =	vst v0;
	v0 =	vld [tilespmem:s18+$0x13060];
	v6 =	vadd.f32 v6, v14  }
0x234: {  	v58 =	vld [tilespmem:s18+$0x13160];
	[tilespmem:s18+$0x131F0] =	vst v7  }
0x235: {  	v2 =	vadd.f32 v3, v2;
	[tilespmem:s18+$0x130A0] =	vst v6;
	v6 =	vld [tilespmem:s18+$0x19530]  }
0x236: {  	[tilespmem:s18+$0x13030] =	vst v1;
	v1 =	vld [tilespmem:s18+$0x194B0];
	v4 =	vadd.f32 v5, v4  }
0x237: {  	v59 =	vld [tilespmem:s18+$0x19560];
	[tilespmem:s18+$0x13040] =	vst v2;
	v14 =	vadd.f32 v50, v22  }
0x238: {  	v5 =	vld [tilespmem:s18+$0x13180];
	v0 =	vadd.f32 v9, v0;
	[tilespmem:s18+$0x13050] =	vst v4  }
0x239: {  	v2 =	vld [tilespmem:s18+$0x19580];
	v4 =	vadd.f32 v16, v15;
	[tilespmem:s18+$0x13120] =	vst v14  }
0x23a: {  	v60 =	vld [tilespmem:s18+$0x19590];
	[tilespmem:s18+$0x13060] =	vst v0;
	v6 =	vadd.f32 v6, v51  }
0x23b: {  	v7 =	vld [tilespmem:s18+$0x13190];
	v1 =	vadd.f32 v1, v45;
	[tilespmem:s18+$0x13070] =	vst v4  }
0x23c: {  	v0 =	vadd.f32 v48, v47;
	[tilespmem:s18+$0x13130] =	vst v6;
	v6 =	vld [tilespmem:s18+$0x194F0]  }
0x23d: {  	v61 =	vld [tilespmem:s18+$0x131A0];
	v4 =	vadd.f32 v17, v49;
	[tilespmem:s18+$0x130B0] =	vst v1  }
0x23e: {  	v63 =	vld [tilespmem:s18+$0x19570];
	v2 =	vadd.f32 v2, v5;
	[tilespmem:s18+$0x130C0] =	vst v0  }
0x23f: {  	v1 =	vld [tilespmem:s18+$0x19550];
	v0 =	vadd.f32 v55, v23;
	[tilespmem:s18+$0x130D0] =	vst v4  }
0x240: {  	v3 =	vld [tilespmem:s18+$0x13170];
	[tilespmem:s18+$0x13180] =	vst v2;
	v2 =	vadd.f32 v60, v7  }
0x241: {  	v62 =	vld [tilespmem:s18+$0x195A0];
	[tilespmem:s18+$0x130E0] =	vst v0;
	v0 =	vadd.f32 v6, v57  }
0x242: {  	v5 =	vld [tilespmem:s18+$0x195B0];
	[tilespmem:s18+$0x13190] =	vst v2;
	v6 =	vadd.f32 v54, v53  }
0x243: {  	v4 =	vld [tilespmem:s18+$0x131B0];
	v7 =	vadd.f32 v59, v58;
	[tilespmem:s18+$0x130F0] =	vst v0  }
0x244: {  	v0 =	vld [tilespmem:s18+$0x131C0];
	[tilespmem:s18+$0x13140] =	vst v6;
	v6 =	vadd.f32 v1, v56  }
0x245: {  	[tilespmem:s18+$0x13160] =	vst v7;
	v7 =	vadd.f32 v63, v3;
	v1 =	vld [tilespmem:s18+$0x195C0]  }
0x246: {  	v2 =	vld [tilespmem:s18+$0x131D0];
	[tilespmem:s18+$0x13150] =	vst v6;
	v6 =	vadd.f32 v62, v61  }
0x247: {  	v3 =	vld [tilespmem:s18+$0x195D0];
	[tilespmem:s18+$0x13170] =	vst v7  }
0x248: {  	s9 =	simm.s32 $0x0;
	s10 =	simm.s32 $0x800;
	v5 =	vadd.f32 v5, v4;
	v4 =	vld [tilespmem:s18+$0x131E0];
	[tilespmem:s18+$0x131A0] =	vst v6  }
.LBB2_9:
0x249: {  	s21 =	sshra.s32 s10, $0x2;
	v6 =	vld [tilespmem:s18+$0x195E0]  }
0x24a: {  	s9 =	sadd.s32 $0x4, s9;
	v7 =	vld [tilespmem:s21+$0x131F0];
	[tilespmem:s18+$0x131B0] =	vst v5;
	v0 =	vadd.f32 v1, v0  }
0x24b: {  	p0 =	slt.u32 s9, $0xC4;
	v1 =	vld [tilespmem:s21+$0x195F0]  }
0x24c: {  	v5 =	vld [tilespmem:s21+$0x13000];
	[tilespmem:s18+$0x131C0] =	vst v0;
	v0 =	vadd.f32 v3, v2  }
0x24d: {  	v2 =	vld [tilespmem:s21+$0x19400]  }
0x24e: {  	v3 =	vld [tilespmem:s21+$0x13010];
	[tilespmem:s18+$0x131D0] =	vst v0;
	v0 =	vadd.f32 v6, v4  }
0x24f: {  	v4 =	vld [tilespmem:s21+$0x19410]  }
0x250: {  	v6 =	vld [tilespmem:s21+$0x13020];
	v1 =	vadd.f32 v1, v7;
	[tilespmem:s18+$0x131E0] =	vst v0;
	s18 =	smov.u32 s21  }
0x251: {  	v0 =	vld [tilespmem:s18+$0x19420]  }
0x252: {  	v2 =	vadd.f32 v2, v5;
	v5 =	vld [tilespmem:s18+$0x13030];
	[tilespmem:s18+$0x131F0] =	vst v1  }
0x253: {  	v1 =	vld [tilespmem:s18+$0x19430]  }
0x254: {  	[tilespmem:s18+$0x13000] =	vst v2;
	v2 =	vadd.f32 v4, v3;
	v3 =	vld [tilespmem:s18+$0x13040]  }
0x255: {  	v4 =	vld [tilespmem:s18+$0x19440]  }
0x256: {  	[tilespmem:s18+$0x13010] =	vst v2;
	v0 =	vadd.f32 v0, v6;
	v2 =	vld [tilespmem:s18+$0x13050]  }
0x257: {  	v6 =	vld [tilespmem:s18+$0x19450]  }
0x258: {  	[tilespmem:s18+$0x13020] =	vst v0;
	v0 =	vadd.f32 v1, v5;
	v1 =	vld [tilespmem:s18+$0x13060]  }
0x259: {  	v5 =	vld [tilespmem:s18+$0x19460]  }
0x25a: {  	[tilespmem:s18+$0x13030] =	vst v0;
	v0 =	vadd.f32 v4, v3;
	v3 =	vld [tilespmem:s18+$0x13070]  }
0x25b: {  	v4 =	vld [tilespmem:s18+$0x19470]  }
0x25c: {  	[tilespmem:s18+$0x13040] =	vst v0;
	v0 =	vadd.f32 v6, v2;
	v2 =	vld [tilespmem:s18+$0x13080]  }
0x25d: {  	v6 =	vld [tilespmem:s18+$0x19480]  }
0x25e: {  	[tilespmem:s18+$0x13050] =	vst v0;
	v0 =	vadd.f32 v5, v1;
	v1 =	vld [tilespmem:s18+$0x13090]  }
0x25f: {  	v5 =	vld [tilespmem:s18+$0x19490]  }
0x260: {  	[tilespmem:s18+$0x13060] =	vst v0;
	v0 =	vadd.f32 v4, v3;
	v3 =	vld [tilespmem:s18+$0x130A0]  }
0x261: {  	v4 =	vld [tilespmem:s18+$0x194A0]  }
0x262: {  	[tilespmem:s18+$0x13070] =	vst v0;
	v0 =	vadd.f32 v6, v2;
	v2 =	vld [tilespmem:s18+$0x130B0]  }
0x263: {  	v6 =	vld [tilespmem:s18+$0x194B0]  }
0x264: {  	[tilespmem:s18+$0x13080] =	vst v0;
	v0 =	vadd.f32 v5, v1;
	v1 =	vld [tilespmem:s18+$0x130C0]  }
0x265: {  	v5 =	vld [tilespmem:s18+$0x194C0]  }
0x266: {  	[tilespmem:s18+$0x13090] =	vst v0;
	v0 =	vadd.f32 v4, v3;
	v3 =	vld [tilespmem:s18+$0x130D0]  }
0x267: {  	v4 =	vld [tilespmem:s18+$0x194D0]  }
0x268: {  	[tilespmem:s18+$0x130A0] =	vst v0;
	v0 =	vadd.f32 v6, v2;
	v2 =	vld [tilespmem:s18+$0x130E0]  }
0x269: {  	v6 =	vld [tilespmem:s18+$0x194E0]  }
0x26a: {  	[tilespmem:s18+$0x130B0] =	vst v0;
	v0 =	vadd.f32 v5, v1;
	v1 =	vld [tilespmem:s18+$0x130F0]  }
0x26b: {  	v5 =	vld [tilespmem:s18+$0x194F0]  }
0x26c: {  	[tilespmem:s18+$0x130C0] =	vst v0;
	v0 =	vadd.f32 v4, v3;
	v3 =	vld [tilespmem:s18+$0x13100]  }
0x26d: {  	v4 =	vld [tilespmem:s18+$0x19500]  }
0x26e: {  	[tilespmem:s18+$0x130D0] =	vst v0;
	v0 =	vadd.f32 v6, v2;
	v2 =	vld [tilespmem:s18+$0x13110]  }
0x26f: {  	v6 =	vld [tilespmem:s18+$0x19510]  }
0x270: {  	[tilespmem:s18+$0x130E0] =	vst v0;
	v0 =	vadd.f32 v5, v1;
	v1 =	vld [tilespmem:s18+$0x13120]  }
0x271: {  	v5 =	vld [tilespmem:s18+$0x19520]  }
0x272: {  	[tilespmem:s18+$0x130F0] =	vst v0;
	v0 =	vadd.f32 v4, v3;
	v3 =	vld [tilespmem:s18+$0x13130]  }
0x273: {  	v4 =	vld [tilespmem:s18+$0x19530]  }
0x274: {  	[tilespmem:s18+$0x13100] =	vst v0;
	v0 =	vadd.f32 v6, v2;
	v2 =	vld [tilespmem:s18+$0x13140]  }
0x275: {  	v6 =	vld [tilespmem:s18+$0x19540]  }
0x276: {  	[tilespmem:s18+$0x13110] =	vst v0;
	v0 =	vadd.f32 v5, v1;
	v1 =	vld [tilespmem:s18+$0x13150]  }
0x277: {  	v5 =	vld [tilespmem:s18+$0x19550]  }
0x278: {  	[tilespmem:s18+$0x13120] =	vst v0;
	v0 =	vadd.f32 v4, v3;
	v3 =	vld [tilespmem:s18+$0x13160]  }
0x279: {  	v4 =	vld [tilespmem:s18+$0x19560]  }
0x27a: {  	[tilespmem:s18+$0x13130] =	vst v0;
	v0 =	vadd.f32 v6, v2;
	v2 =	vld [tilespmem:s18+$0x13170]  }
0x27b: {  	v6 =	vld [tilespmem:s18+$0x19570]  }
0x27c: {  	[tilespmem:s18+$0x13140] =	vst v0;
	v0 =	vadd.f32 v5, v1;
	v1 =	vld [tilespmem:s18+$0x13180]  }
0x27d: {  	v5 =	vld [tilespmem:s18+$0x19580]  }
0x27e: {  	[tilespmem:s18+$0x13150] =	vst v0;
	v0 =	vadd.f32 v4, v3;
	v3 =	vld [tilespmem:s18+$0x13190]  }
0x27f: {  	v4 =	vld [tilespmem:s18+$0x19590]  }
0x280: {  	[tilespmem:s18+$0x13160] =	vst v0;
	v0 =	vadd.f32 v6, v2;
	v2 =	vld [tilespmem:s18+$0x131A0]  }
0x281: {  	v6 =	vld [tilespmem:s18+$0x195A0]  }
0x282: {  	[tilespmem:s18+$0x13170] =	vst v0;
	v0 =	vadd.f32 v5, v1;
	v5 =	vld [tilespmem:s18+$0x131B0]  }
0x283: {  	v7 =	vld [tilespmem:s18+$0x195B0]  }
.Ltmp3:
0x284: {  	[tilespmem:s18+$0x13180] =	vst v0;
	v3 =	vadd.f32 v4, v3;
	v0 =	vld [tilespmem:s18+$0x131C0];
	(pc) =	sbr.rel @p0 .LBB2_9-.Ltmp3, $4  }
0x285: {  	v1 =	vld [tilespmem:s18+$0x195C0]  }
0x286: {  	[tilespmem:s18+$0x13190] =	vst v3;
	v4 =	vadd.f32 v6, v2;
	v2 =	vld [tilespmem:s18+$0x131D0]  }
0x287: {  	v3 =	vld [tilespmem:s18+$0x195D0]  }
0x288: {  	s10 =	sadd.s32 $0x800, s10;
	[tilespmem:s18+$0x131A0] =	vst v4;
	v5 =	vadd.f32 v7, v5;
	v4 =	vld [tilespmem:s18+$0x131E0]  }
0x289: {  	v6 =	vld [tilespmem:s18+$0x195E0];
	_ =	sdelay $0x1  }
0x28a: {  	s28 =	sadd.s32 $0x1, s28  }
0x28b: {  	v0 =	vadd.f32 v1, v0;
	p0 =	sne.s32 s28, $0x20  }
.Ltmp4:
0x28c: {  	[tilespmem:s18+$0x131B0] =	vst v5;
	v62 =	vadd.f32 v3, v2;
	(pc) =	sbr.rel @p0 .LBB2_2-.Ltmp4, $4  }
0x28d: {  	[tilespmem:s18+$0x131C0] =	vst v0;
	v63 =	vadd.f32 v6, v4  }
0x28e: {  	s9 =	sshll.u32 s22, $0x4;
	[tilespmem:s18+$0x131D0] =	vst v62  }
0x28f: {  	s9 =	sadd.s32 s3, s9;
	[tilespmem:s18+$0x131E0] =	vst v63  }
0x290: {  	[hbm4b:s9+s4] =	stream.linear.scatter [tilespmem:s8], [sflag:$0xC], $0x6400, $0x38;
	[tilespmem:$0x1F800] =	vst v63  }
0x291: {  	s9 =	simm.s32 $0x9  }
0x292: {  	_ =	swait.ge [sflag:s9], $0x6400  }
0x293: {  	[sflag:s9] =	ssyncset.done $0x0  }
0x294: {  	s22 =	simm.s32 $0xA;
	[sflag:s9] =	ssyncadd.s32 $0xFFFF9C00  }
0x295: {  	_ =	swait.ge [sflag:s22], $0x6400  }
0x296: {  	[sflag:s22] =	ssyncset.done $0x0  }
0x297: {  	s26 =	simm.s32 $0xB;
	[sflag:s22] =	ssyncadd.s32 $0xFFFF9C00  }
0x298: {  	_ =	swait.ge [sflag:s26], $0x6400  }
0x299: {  	[sflag:s26] =	ssyncset.done $0x0  }
0x29a: {  	s10 =	simm.s32 $0xC;
	[sflag:s26] =	ssyncadd.s32 $0xFFFF9C00  }
0x29b: {  	_ =	swait.ge [sflag:s10], $0x6400  }
0x29c: {  	s18 =	rddreg [dreg:$0x9]  }
0x29d: {  	s28 =	rddreg [dreg:$0x8];
	s18 =	sadd.s32 $0x1, s18  }
0x29e: {  	p0 =	sne.s32 s18, s28  }
.Ltmp5:
0x29f: {  	_ = 	snop;
	(pc) =	sbr.rel @p0 .LBB2_1-.Ltmp5, $3  }
0x2a0: {  	_ =	sdelay $0x1  }
0x2a1: {  	[sflag:s10] =	ssyncset.done $0x0  }
0x2a2: {  	[sflag:s10] =	ssyncadd.s32 $0xFFFF9C00  }
0x2a3: {  	_ =	sfence.sel $0x180000  }
0x2a4: {  	[bflag:$0x0] =	sbarrier.arrive $0xFFFF  }
0x2a5: {  	_ =	strace $0x90000047  }
0x2a6: {  	s0 =	stileid.u32;
	[bflag:$0x2] =	sbarrier.arrive $0xFFFF  }
0x2a7: {  	p0 =	sne.s32 s0, $0x0;
	s0 =	rddreg [dreg:$0x3]  }
0x2a8: {  	s0 =	sadd.s32 @!p0 $0x100000, s0  }
0x2a9: {  	[sflag:s0] =	ssyncadd.tile.s32 @!p0 $0x1;
	_ =	shalt  }
.Lfunc_end2:
_tile_overlayer_lowered:
.L_overlay_start_2:
0x2aa: {  	(tag) =	ssettag $0x2  }
0x2ab: {  	s0 =	rddreg [dreg:$0x0];
	s2 =	stileid.u32  }
0x2ac: {  	s1 =	rddreg [dreg:$0x1];
	p0 =	sne.s32 s2, $0x0  }
0x2ad: {  	s3 =	rddreg [dreg:$0x2];
	[bflag:$0x3] =	sbarrier.arrive $0xFFFF;
	s2 =	simm.s32 @!p0 $0x1C0D  }
0x2ae: {  	[timem:s3], [sflag:s2] =	dma.local @!p0 [hbm:s0], s1  }
0x2af: {  	s0 =	simm.s32 @!p0 $0xD  }
0x2b0: {  	_ =	swait.ge @!p0 [sflag:s0], s1  }
0x2b1: {  	s1 =	ssub.s32 @!p0 $0x0, s1;
	[sflag:s0] =	ssyncset.done @!p0 $0x0  }
0x2b2: {  	[sflag:s0] =	ssyncadd.s32 @!p0 s1  }
0x2b3: {  	[bflag:$0x3] =	sbarrier.arrive $0xFFFF  }
0x2b4: {  	_ =	shalt  }

</sc_bundles>
